<compile_context>
chip_gen: v7x
topology: tpu7x:2x2x1
jax: 0.10.2.dev20260603
libtpu: 0.0.44.dev20260713+nightly
codegen_flags: <defaults>
</compile_context>

<pallas_src>
import dataclasses
import functools

import jax
import jax.numpy as jnp
from jax.experimental import pallas as pl
from jax.experimental.pallas import tpu as pltpu
from jax.experimental.pallas import tpu_sc as plsc

NC = 2
NS = 16
NW = NC * NS
LANES = 16
CHUNK = 128
NBUF = 2


def _padded_rows(n_nodes):
  per = -(-n_nodes // (NS * 8)) * 8
  return per, per * NS


def _sc_compiler_params():
  cp = pltpu.CompilerParams()
  if "needs_layout_passes" in pltpu.CompilerParams.__dataclass_fields__:
    cp = dataclasses.replace(cp, needs_layout_passes=False)
  return cp


def _make_degree_kernel(n_nodes, n_chunks):
  k_tile = n_chunks // NW
  e_tile = k_tile * CHUNK
  _, np_rows = _padded_rows(n_nodes)
  hrows = np_rows // CHUNK

  mesh = plsc.VectorSubcoreMesh(core_axis_name="c", subcore_axis_name="s",
                                num_cores=NC, num_subcores=NS)

  @functools.partial(
      pl.kernel,
      out_type=jax.ShapeDtypeStruct((NC, hrows, CHUNK), jnp.float32),
      mesh=mesh,
      compiler_params=_sc_compiler_params(),
      scratch_types=[
          pltpu.VMEM((e_tile,), jnp.int32),
          pltpu.VMEM((hrows, CHUNK), jnp.float32),
          pltpu.VMEM((hrows,), jnp.int32),
          pltpu.VMEM_SHARED((hrows, CHUNK), jnp.float32),
      ],
  )
  def k(dst_hbm, zeros_hbm, rowidx_hbm, degp_hbm, dst_v, hist_v, rows_v,
        deg_sh):
    c = jax.lax.axis_index("c")
    s = jax.lax.axis_index("s")
    wid = c * NS + s

    pltpu.sync_copy(dst_hbm.at[pl.ds(wid * e_tile, e_tile)], dst_v)
    pltpu.sync_copy(zeros_hbm, hist_v)
    pltpu.sync_copy(rowidx_hbm, rows_v)

    @pl.when(s == 0)
    def _():
      pltpu.sync_copy(zeros_hbm, deg_sh)

    @pl.loop(0, e_tile // LANES)
    def _(t):
      ids = dst_v[pl.ds(t * LANES, LANES)]
      plsc.addupdate_scatter(
          hist_v,
          [jax.lax.shift_right_logical(ids, 7),
           jax.lax.bitwise_and(ids, 127)],
          jnp.ones((LANES,), jnp.float32))

    plsc.subcore_barrier()
    pltpu.sync_copy(hist_v, deg_sh.at[rows_v], add=True)
    plsc.subcore_barrier()

    @pl.when(s == 0)
    def _():
      pltpu.sync_copy(deg_sh, degp_hbm.at[c])

  return k


def _make_scatter_kernel(n_nodes, n_chunks, d):
  k_tile = n_chunks // NW
  rows_tile, np_rows = _padded_rows(n_nodes)
  ngroups = k_tile // NBUF
  assert k_tile % NBUF == 0

  mesh = plsc.VectorSubcoreMesh(core_axis_name="c", subcore_axis_name="s",
                                num_cores=NC, num_subcores=NS)

  rows_scratch = [pltpu.VMEM((CHUNK, d), jnp.float32) for _ in range(NBUF)]
  dstb_scratch = [pltpu.VMEM((1, CHUNK), jnp.int32) for _ in range(NBUF)]

  @functools.partial(
      pl.kernel,
      out_type=jax.ShapeDtypeStruct((NC, np_rows, d), jnp.float32),
      mesh=mesh,
      scratch_types=[
          pltpu.VMEM((k_tile, CHUNK), jnp.int32),
          pltpu.VMEM_SHARED((np_rows, d), jnp.float32),
      ] + rows_scratch + dstb_scratch
        + [pltpu.SemaphoreType.DMA] * (2 * NBUF),
  )
  def k(u_hbm, src_hbm, dst_hbm, zeros_hbm, vp_hbm, src_v, v_sh, *rest):
    rows = rest[:NBUF]
    dstb = rest[NBUF:2 * NBUF]
    gsem = rest[2 * NBUF:3 * NBUF]
    dsem = rest[3 * NBUF:4 * NBUF]
    c = jax.lax.axis_index("c")
    s = jax.lax.axis_index("s")
    wid = c * NS + s
    rbase = s * rows_tile
    crow = wid * k_tile

    pltpu.sync_copy(src_hbm.at[pl.ds(crow, k_tile)], src_v)
    pltpu.sync_copy(zeros_hbm, v_sh.at[pl.ds(rbase, rows_tile)])

    for b in range(NBUF):
      pltpu.async_copy(dst_hbm.at[crow + b], dstb[b], dsem[b])
      pltpu.async_copy(u_hbm.at[src_v.at[b]], rows[b], gsem[b])

    plsc.subcore_barrier()

    def wait_idx(b):
      pltpu.make_async_copy(dst_hbm.at[0], dstb[b], dsem[b]).wait()

    def wait_rows(b):
      pltpu.make_async_copy(u_hbm.at[pl.ds(0, CHUNK)], rows[b], gsem[b]).wait()

    @pl.loop(0, ngroups - 1)
    def _(t):
      for b in range(NBUF):
        j = t * NBUF + b
        wait_idx(b)
        wait_rows(b)
        pltpu.sync_copy(rows[b], v_sh.at[dstb[b].at[0]], add=True)
        pltpu.async_copy(dst_hbm.at[crow + j + NBUF], dstb[b], dsem[b])
        pltpu.async_copy(u_hbm.at[src_v.at[j + NBUF]], rows[b], gsem[b])

    for b in range(NBUF):
      wait_idx(b)
      wait_rows(b)
      pltpu.sync_copy(rows[b], v_sh.at[dstb[b].at[0]], add=True)

    plsc.subcore_barrier()
    pltpu.sync_copy(v_sh.at[pl.ds(rbase, rows_tile)],
                    vp_hbm.at[c].at[pl.ds(rbase, rows_tile)])

  return k


def _matmul_body(x_ref, w_ref, h_ref):
  h_ref[...] = jnp.dot(x_ref[...], w_ref[...],
                       preferred_element_type=jnp.float32)


def _scale_body(n, np_rows, degp_ref, h_ref, u_ref):
  deg = degp_ref[0, 0:n, 0:1] + degp_ref[1, 0:n, 0:1] + 1.0
  u_ref[0:n, :] = h_ref[...] * jax.lax.rsqrt(deg)
  u_ref[n:np_rows, :] = jnp.zeros((np_rows - n, h_ref.shape[1]), jnp.float32)


def _combine_body(n, vp_ref, u_ref, degp_ref, b_ref, o_ref):
  deg = degp_ref[0, 0:n, 0:1] + degp_ref[1, 0:n, 0:1] + 1.0
  o_ref[...] = ((vp_ref[0, 0:n, :] + vp_ref[1, 0:n, :] + u_ref[0:n, :])
                * jax.lax.rsqrt(deg)) + b_ref[...]


@jax.jit
def kernel(x, edge_index, W, b):
  n, d = x.shape
  e = edge_index.shape[1]
  _, np_rows = _padded_rows(n)

  grain = NW * CHUNK * NBUF
  e_pad = -(-e // grain) * grain
  src = edge_index[0].astype(jnp.int32)
  dst = edge_index[1].astype(jnp.int32)
  if e_pad != e:
    fill = n + (jnp.arange(e_pad - e, dtype=jnp.int32) % (np_rows - n))
    src = jnp.concatenate([src, fill])
    dst = jnp.concatenate([dst, fill])
  n_chunks = e_pad // CHUNK
  src2 = src.reshape(n_chunks, CHUNK)
  dst3 = dst.reshape(n_chunks, 1, CHUNK)

  rows_tile, _ = _padded_rows(n)
  hrows = np_rows // CHUNK
  zeros_deg = jnp.zeros((hrows, CHUNK), jnp.float32)
  rowidx = jnp.arange(hrows, dtype=jnp.int32)
  zeros_v = jnp.zeros((rows_tile, d), jnp.float32)
  dst_flat = dst

  degp = _make_degree_kernel(n, n_chunks)(dst_flat, zeros_deg, rowidx)
  degp = degp.reshape(NC, np_rows, 1)
  h = pl.pallas_call(
      _matmul_body,
      out_shape=jax.ShapeDtypeStruct((n, d), jnp.float32),
  )(x, W)
  u = pl.pallas_call(
      functools.partial(_scale_body, n, np_rows),
      out_shape=jax.ShapeDtypeStruct((np_rows, d), jnp.float32),
  )(degp, h)
  vp = _make_scatter_kernel(n, n_chunks, d)(u, src2, dst3, zeros_v)
  out = pl.pallas_call(
      functools.partial(_combine_body, n),
      out_shape=jax.ShapeDtypeStruct((n, d), jnp.float32),
  )(vp, u, degp, b.reshape(1, d))
  return out

# --- scband reference (transcript-rebuilt; emitter-appended) ---
"""Pipeline reference for scband-gcnconv-61830349193418 (READ-ONLY COPY).

The authoritative reference and input builder live on the scoring server;
editing this copy changes nothing except your own understanding.
"""

import jax, jax.numpy as jnp
import numpy as np

N_NODES = 10000
D_IN = 128
D_OUT = 128
N_EDGES = 320000


def setup_inputs(seed: int = 0) -> dict:
    key = jax.random.key(seed)
    k1, k2, k3, k4 = jax.random.split(key, 4)
    x = jax.random.normal(k1, (N_NODES, D_IN), dtype=jnp.float32)
    edge_index = jax.random.randint(k2, (2, N_EDGES), 0, N_NODES, dtype=jnp.int64)
    # glorot init for linear weight (in_channels -> out_channels, no bias in lin)
    limit = float(np.sqrt(6.0 / (D_IN + D_OUT)))
    W = jax.random.uniform(k3, (D_IN, D_OUT), dtype=jnp.float32, minval=-limit, maxval=limit)
    b = jnp.zeros((D_OUT,), dtype=jnp.float32)
    return {"x": x, "edge_index": edge_index, "W": W, "b": b}


def reference(x, edge_index, W, b):
    N = x.shape[0]
    # x = self.lin(x)
    h = x @ W
    src = edge_index[0]
    dst = edge_index[1]
    # make_self_loops: add self-loop edges with fill_value=1.0 (improved=False)
    loop = jnp.arange(N, dtype=src.dtype)
    src = jnp.concatenate([src, loop], axis=0)
    dst = jnp.concatenate([dst, loop], axis=0)
    ew = jnp.ones((src.shape[0],), dtype=h.dtype)
    # make_gcn_norm (add_self_loops=False since already added): D^-1/2 A D^-1/2
    deg = jnp.zeros((N,), dtype=h.dtype).at[dst].add(ew)
    deg_inv_sqrt = jnp.power(deg, -0.5)
    deg_inv_sqrt = jnp.where(jnp.isinf(deg_inv_sqrt), 0.0, deg_inv_sqrt)
    norm = deg_inv_sqrt[src] * ew * deg_inv_sqrt[dst]
    # spmm: out[dst] += norm * h[src]
    msg = h[src] * norm[:, None]
    out = jnp.zeros((N, h.shape[1]), dtype=h.dtype).at[dst].add(msg)
    # bias
    out = out + b
    return out

if __name__ == "__main__":
    import jax
    _d = setup_inputs()
    print(jax.jit(kernel)(*tuple(_d.values())))

</pallas_src>

<mosaic_0001>
#map = affine_map<(d0, d1) -> (0, 0)>
#map1 = affine_map<(d0, d1) -> (0, 0, 0)>
module attributes {stable_mosaic.version = 14 : i64} {
  func.func @k(%arg0: i32, %arg1: i32, %arg2: memref<10112x128xf32, #tpu.memory_space<hbm>>, %arg3: memref<2560x128xi32, #tpu.memory_space<hbm>>, %arg4: memref<2560x1x128xi32, #tpu.memory_space<hbm>>, %arg5: memref<632x128xf32, #tpu.memory_space<hbm>>, %arg6: memref<2x10112x128xf32, #tpu.memory_space<hbm>>, %arg7: memref<80x128xi32, #tpu.memory_space<vmem>>, %arg8: memref<10112x128xf32, #tpu.memory_space<vmem_shared>>, %arg9: memref<128x128xf32, #tpu.memory_space<vmem>>, %arg10: memref<128x128xf32, #tpu.memory_space<vmem>>, %arg11: memref<1x128xi32, #tpu.memory_space<vmem>>, %arg12: memref<1x128xi32, #tpu.memory_space<vmem>>, %arg13: memref<!tpu.dma_semaphore, #tpu.memory_space<semaphore_mem>>, %arg14: memref<!tpu.dma_semaphore, #tpu.memory_space<semaphore_mem>>, %arg15: memref<!tpu.dma_semaphore, #tpu.memory_space<semaphore_mem>>, %arg16: memref<!tpu.dma_semaphore, #tpu.memory_space<semaphore_mem>>) attributes {dimension_semantics = [#tpu.dimension_semantics<core_parallel>, #tpu.dimension_semantics<subcore_parallel>], iteration_bounds = array<i64: 2, 16>, scalar_prefetch = 0 : i64, scratch_operands = 10 : i64, tpu.core_type = #tpu.core_type<sc_vector_subcore>, window_params = [{transform_indices = #map}, {transform_indices = #map}, {transform_indices = #map1}, {transform_indices = #map}, {transform_indices = #map1}]} {
    %mul3A = arith.constant 16 : i32
    %mul3A_0 = arith.muli %arg0, %mul3A : i32
    %add3A = arith.addi %mul3A_0, %arg1 : i32
    %mul3A_1 = arith.constant 632 : i32
    %mul3A_2 = arith.muli %arg1, %mul3A_1 : i32
    %mul3A_3 = arith.constant 80 : i32
    %mul3A_4 = arith.muli %add3A, %mul3A_3 : i32
    "tpu.region"() ({
      %run_scoped3A_73 = tpu.sem_alloc : memref<!tpu.dma_semaphore, #tpu.memory_space<semaphore_mem>>
      %dma_start3A_74 = arith.constant 0 : i32
      %dma_start3A_75 = tpu.memref_slice %arg3[%mul3A_4, %dma_start3A_74] : memref<2560x128xi32, #tpu.memory_space<hbm>> -> memref<80x128xi32, #tpu.memory_space<hbm>>
      %dma_start3A_76 = arith.constant 0 : i32
      %dma_start3A_77 = tpu.memref_slice %arg3[%mul3A_4, %dma_start3A_76] : memref<2560x128xi32, #tpu.memory_space<hbm>> -> memref<80x128xi32, #tpu.memory_space<hbm>>
      tpu.enqueue_dma source(%dma_start3A_77 : memref<80x128xi32, #tpu.memory_space<hbm>>) target(%arg7 : memref<80x128xi32, #tpu.memory_space<vmem>>) target_semaphore(%run_scoped3A_73 : memref<!tpu.dma_semaphore, #tpu.memory_space<semaphore_mem>>)
      %dma_wait3A_78 = arith.constant 0 : i32
      %dma_wait3A_79 = tpu.memref_slice %arg3[%mul3A_4, %dma_wait3A_78] : memref<2560x128xi32, #tpu.memory_space<hbm>> -> memref<80x128xi32, #tpu.memory_space<hbm>>
      %dma_wait3A_80 = arith.constant 0 : i32
      %dma_wait3A_81 = tpu.memref_slice %arg3[%mul3A_4, %dma_wait3A_80] : memref<2560x128xi32, #tpu.memory_space<hbm>> -> memref<80x128xi32, #tpu.memory_space<hbm>>
      tpu.wait_dma2 semaphore(%run_scoped3A_73 : memref<!tpu.dma_semaphore, #tpu.memory_space<semaphore_mem>>) src(%dma_wait3A_81 : memref<80x128xi32, #tpu.memory_space<hbm>>) dst(%arg7 : memref<80x128xi32, #tpu.memory_space<vmem>>)
      tpu.yield
    }) : () -> ()
    "tpu.region"() ({
      %run_scoped3A_73 = tpu.sem_alloc : memref<!tpu.dma_semaphore, #tpu.memory_space<semaphore_mem>>
      %dma_start3A_74 = arith.constant 0 : i32
      %dma_start3A_75 = tpu.memref_slice %arg8[%mul3A_2, %dma_start3A_74] : memref<10112x128xf32, #tpu.memory_space<vmem_shared>> -> memref<632x128xf32, #tpu.memory_space<vmem_shared>>
      tpu.enqueue_dma source(%arg5 : memref<632x128xf32, #tpu.memory_space<hbm>>) target(%dma_start3A_75 : memref<632x128xf32, #tpu.memory_space<vmem_shared>>) target_semaphore(%run_scoped3A_73 : memref<!tpu.dma_semaphore, #tpu.memory_space<semaphore_mem>>)
      %dma_wait3A_76 = arith.constant 0 : i32
      %dma_wait3A_77 = tpu.memref_slice %arg8[%mul3A_2, %dma_wait3A_76] : memref<10112x128xf32, #tpu.memory_space<vmem_shared>> -> memref<632x128xf32, #tpu.memory_space<vmem_shared>>
      tpu.wait_dma2 semaphore(%run_scoped3A_73 : memref<!tpu.dma_semaphore, #tpu.memory_space<semaphore_mem>>) src(%arg5 : memref<632x128xf32, #tpu.memory_space<hbm>>) dst(%dma_wait3A_77 : memref<632x128xf32, #tpu.memory_space<vmem_shared>>)
      tpu.yield
    }) : () -> ()
    %add3A_5 = arith.constant 0 : i32
    %add3A_6 = arith.addi %mul3A_4, %add3A_5 : i32
    %dma_start3A = arith.constant 0 : i32
    %dma_start3A_7 = arith.constant 0 : i32
    %dma_start3A_8 = tpu.memref_slice %arg4[%add3A_6, %dma_start3A, %dma_start3A_7] : memref<2560x1x128xi32, #tpu.memory_space<hbm>> -> memref<1x1x128xi32, #tpu.memory_space<hbm>>
    %dma_start3A_9 = tpu.memref_squeeze %dma_start3A_8 : memref<1x1x128xi32, #tpu.memory_space<hbm>> -> memref<1x128xi32, #tpu.memory_space<hbm>>
    %dma_start3A_10 = arith.constant 0 : i32
    %dma_start3A_11 = arith.constant 0 : i32
    %dma_start3A_12 = tpu.memref_slice %arg4[%add3A_6, %dma_start3A_10, %dma_start3A_11] : memref<2560x1x128xi32, #tpu.memory_space<hbm>> -> memref<1x1x128xi32, #tpu.memory_space<hbm>>
    %dma_start3A_13 = tpu.memref_squeeze %dma_start3A_12 : memref<1x1x128xi32, #tpu.memory_space<hbm>> -> memref<1x128xi32, #tpu.memory_space<hbm>>
    tpu.enqueue_dma source(%dma_start3A_13 : memref<1x128xi32, #tpu.memory_space<hbm>>) target(%arg11 : memref<1x128xi32, #tpu.memory_space<vmem>>) target_semaphore(%arg15 : memref<!tpu.dma_semaphore, #tpu.memory_space<semaphore_mem>>)
    %dma_start3A_14 = arith.constant 0 : i32
    %dma_start3A_15 = arith.constant 0 : i32
    %dma_start3A_16 = tpu.memref_slice %arg7[%dma_start3A_14, %dma_start3A_15] : memref<80x128xi32, #tpu.memory_space<vmem>> -> memref<1x128xi32, #tpu.memory_space<vmem>>
    %dma_start3A_17 = tpu.memref_squeeze %dma_start3A_16 : memref<1x128xi32, #tpu.memory_space<vmem>> -> memref<128xi32, #tpu.memory_space<vmem>>
    %dma_start3A_18 = arith.constant 0 : i32
    %dma_start3A_19 = arith.constant 0 : i32
    %dma_start3A_20 = tpu.memref_slice %arg2[%dma_start3A_18, %dma_start3A_19] : memref<10112x128xf32, #tpu.memory_space<hbm>> -> memref<10112x128xf32, #tpu.memory_space<hbm>>
    tpu.enqueue_indirect_dma source(%dma_start3A_20 : memref<10112x128xf32, #tpu.memory_space<hbm>>) target(%arg9 : memref<128x128xf32, #tpu.memory_space<vmem>>) offsets(%dma_start3A_17 : memref<128xi32, #tpu.memory_space<vmem>>) semaphore(%arg13 : memref<!tpu.dma_semaphore, #tpu.memory_space<semaphore_mem>>)
    %add3A_21 = arith.constant 1 : i32
    %add3A_22 = arith.addi %mul3A_4, %add3A_21 : i32
    %dma_start3A_23 = arith.constant 0 : i32
    %dma_start3A_24 = arith.constant 0 : i32
    %dma_start3A_25 = tpu.memref_slice %arg4[%add3A_22, %dma_start3A_23, %dma_start3A_24] : memref<2560x1x128xi32, #tpu.memory_space<hbm>> -> memref<1x1x128xi32, #tpu.memory_space<hbm>>
    %dma_start3A_26 = tpu.memref_squeeze %dma_start3A_25 : memref<1x1x128xi32, #tpu.memory_space<hbm>> -> memref<1x128xi32, #tpu.memory_space<hbm>>
    %dma_start3A_27 = arith.constant 0 : i32
    %dma_start3A_28 = arith.constant 0 : i32
    %dma_start3A_29 = tpu.memref_slice %arg4[%add3A_22, %dma_start3A_27, %dma_start3A_28] : memref<2560x1x128xi32, #tpu.memory_space<hbm>> -> memref<1x1x128xi32, #tpu.memory_space<hbm>>
    %dma_start3A_30 = tpu.memref_squeeze %dma_start3A_29 : memref<1x1x128xi32, #tpu.memory_space<hbm>> -> memref<1x128xi32, #tpu.memory_space<hbm>>
    tpu.enqueue_dma source(%dma_start3A_30 : memref<1x128xi32, #tpu.memory_space<hbm>>) target(%arg12 : memref<1x128xi32, #tpu.memory_space<vmem>>) target_semaphore(%arg16 : memref<!tpu.dma_semaphore, #tpu.memory_space<semaphore_mem>>)
    %dma_start3A_31 = arith.constant 1 : i32
    %dma_start3A_32 = arith.constant 0 : i32
    %dma_start3A_33 = tpu.memref_slice %arg7[%dma_start3A_31, %dma_start3A_32] : memref<80x128xi32, #tpu.memory_space<vmem>> -> memref<1x128xi32, #tpu.memory_space<vmem>>
    %dma_start3A_34 = tpu.memref_squeeze %dma_start3A_33 : memref<1x128xi32, #tpu.memory_space<vmem>> -> memref<128xi32, #tpu.memory_space<vmem>>
    %dma_start3A_35 = arith.constant 0 : i32
    %dma_start3A_36 = arith.constant 0 : i32
    %dma_start3A_37 = tpu.memref_slice %arg2[%dma_start3A_35, %dma_start3A_36] : memref<10112x128xf32, #tpu.memory_space<hbm>> -> memref<10112x128xf32, #tpu.memory_space<hbm>>
    tpu.enqueue_indirect_dma source(%dma_start3A_37 : memref<10112x128xf32, #tpu.memory_space<hbm>>) target(%arg10 : memref<128x128xf32, #tpu.memory_space<vmem>>) offsets(%dma_start3A_34 : memref<128xi32, #tpu.memory_space<vmem>>) semaphore(%arg14 : memref<!tpu.dma_semaphore, #tpu.memory_space<semaphore_mem>>)
    %barrier3A = arith.constant 0 : index
    tpu.barrier barrier_id(%barrier3A)
    %scan3A = arith.constant 0 : i32
    %scan3A_38 = arith.constant 39 : i32
    %scan3A_39 = arith.addi %scan3A, %scan3A_38 : i32
    %scan3A_40 = arith.constant 1 : i32
    scf.for %scan3A_73 = %scan3A to %scan3A_39 step %scan3A_40  : i32 {
      %mul3A_74 = arith.constant 1 : i32
      %mul3A_75 = arith.muli %scan3A_73, %mul3A_74 : i32
      %add3A_76 = arith.constant 0 : i32
      %add3A_77 = arith.addi %add3A_76, %mul3A_75 : i32
      %mul3A_78 = arith.constant 2 : i32
      %mul3A_79 = arith.muli %add3A_77, %mul3A_78 : i32
      %add3A_80 = arith.constant 0 : i32
      %add3A_81 = arith.addi %mul3A_79, %add3A_80 : i32
      %dma_wait3A_82 = arith.constant 0 : i32
      %dma_wait3A_83 = arith.constant 0 : i32
      %dma_wait3A_84 = arith.constant 0 : i32
      %dma_wait3A_85 = tpu.memref_slice %arg4[%dma_wait3A_82, %dma_wait3A_83, %dma_wait3A_84] : memref<2560x1x128xi32, #tpu.memory_space<hbm>> -> memref<1x1x128xi32, #tpu.memory_space<hbm>>
      %dma_wait3A_86 = tpu.memref_squeeze %dma_wait3A_85 : memref<1x1x128xi32, #tpu.memory_space<hbm>> -> memref<1x128xi32, #tpu.memory_space<hbm>>
      %dma_wait3A_87 = arith.constant 0 : i32
      %dma_wait3A_88 = arith.constant 0 : i32
      %dma_wait3A_89 = tpu.memref_slice %arg4[%dma_wait3A_82, %dma_wait3A_87, %dma_wait3A_88] : memref<2560x1x128xi32, #tpu.memory_space<hbm>> -> memref<1x1x128xi32, #tpu.memory_space<hbm>>
      %dma_wait3A_90 = tpu.memref_squeeze %dma_wait3A_89 : memref<1x1x128xi32, #tpu.memory_space<hbm>> -> memref<1x128xi32, #tpu.memory_space<hbm>>
      tpu.wait_dma2 semaphore(%arg15 : memref<!tpu.dma_semaphore, #tpu.memory_space<semaphore_mem>>) src(%dma_wait3A_90 : memref<1x128xi32, #tpu.memory_space<hbm>>) dst(%arg11 : memref<1x128xi32, #tpu.memory_space<vmem>>)
      %dma_wait3A_91 = arith.constant 0 : i32
      %dma_wait3A_92 = arith.constant 0 : i32
      %dma_wait3A_93 = tpu.memref_slice %arg2[%dma_wait3A_91, %dma_wait3A_92] : memref<10112x128xf32, #tpu.memory_space<hbm>> -> memref<128x128xf32, #tpu.memory_space<hbm>>
      %dma_wait3A_94 = arith.constant 0 : i32
      %dma_wait3A_95 = arith.constant 0 : i32
      %dma_wait3A_96 = tpu.memref_slice %arg2[%dma_wait3A_94, %dma_wait3A_95] : memref<10112x128xf32, #tpu.memory_space<hbm>> -> memref<128x128xf32, #tpu.memory_space<hbm>>
      tpu.wait_dma2 semaphore(%arg13 : memref<!tpu.dma_semaphore, #tpu.memory_space<semaphore_mem>>) src(%dma_wait3A_96 : memref<128x128xf32, #tpu.memory_space<hbm>>) dst(%arg9 : memref<128x128xf32, #tpu.memory_space<vmem>>)
      %run_scoped3A_97 = arith.constant 0 : i32
      "tpu.region"() ({
        %run_scoped3A_156 = tpu.sem_alloc : memref<!tpu.dma_semaphore, #tpu.memory_space<semaphore_mem>>
        %dma_start3A_157 = arith.constant 0 : i32
        %dma_start3A_158 = tpu.memref_slice %arg11[%run_scoped3A_97, %dma_start3A_157] : memref<1x128xi32, #tpu.memory_space<vmem>> -> memref<1x128xi32, #tpu.memory_space<vmem>>
        %dma_start3A_159 = tpu.memref_squeeze %dma_start3A_158 : memref<1x128xi32, #tpu.memory_space<vmem>> -> memref<128xi32, #tpu.memory_space<vmem>>
        %dma_start3A_160 = arith.constant 0 : i32
        %dma_start3A_161 = arith.constant 0 : i32
        %dma_start3A_162 = tpu.memref_slice %arg8[%dma_start3A_160, %dma_start3A_161] : memref<10112x128xf32, #tpu.memory_space<vmem_shared>> -> memref<10112x128xf32, #tpu.memory_space<vmem_shared>>
        tpu.enqueue_indirect_dma source(%arg9 : memref<128x128xf32, #tpu.memory_space<vmem>>) target(%dma_start3A_162 : memref<10112x128xf32, #tpu.memory_space<vmem_shared>>) offsets(%dma_start3A_159 : memref<128xi32, #tpu.memory_space<vmem>>) semaphore(%run_scoped3A_156 : memref<!tpu.dma_semaphore, #tpu.memory_space<semaphore_mem>>) {add = true}
        %dma_wait3A_163 = arith.constant 0 : i32
        %dma_wait3A_164 = tpu.memref_slice %arg11[%run_scoped3A_97, %dma_wait3A_163] : memref<1x128xi32, #tpu.memory_space<vmem>> -> memref<1x128xi32, #tpu.memory_space<vmem>>
        %dma_wait3A_165 = tpu.memref_squeeze %dma_wait3A_164 : memref<1x128xi32, #tpu.memory_space<vmem>> -> memref<128xi32, #tpu.memory_space<vmem>>
        %dma_wait3A_166 = arith.constant 0 : i32
        %dma_wait3A_167 = arith.constant 0 : i32
        %dma_wait3A_168 = tpu.memref_slice %arg8[%dma_wait3A_166, %dma_wait3A_167] : memref<10112x128xf32, #tpu.memory_space<vmem_shared>> -> memref<10112x128xf32, #tpu.memory_space<vmem_shared>>
        tpu.wait_indirect_dma semaphore(%run_scoped3A_156 : memref<!tpu.dma_semaphore, #tpu.memory_space<semaphore_mem>>) src(%arg9 : memref<128x128xf32, #tpu.memory_space<vmem>>) dst(%dma_wait3A_168 : memref<10112x128xf32, #tpu.memory_space<vmem_shared>>)
        tpu.yield
      }) : () -> ()
      %add3A_98 = arith.addi %mul3A_4, %add3A_81 : i32
      %add3A_99 = arith.constant 2 : i32
      %add3A_100 = arith.addi %add3A_98, %add3A_99 : i32
      %dma_start3A_101 = arith.constant 0 : i32
      %dma_start3A_102 = arith.constant 0 : i32
      %dma_start3A_103 = tpu.memref_slice %arg4[%add3A_100, %dma_start3A_101, %dma_start3A_102] : memref<2560x1x128xi32, #tpu.memory_space<hbm>> -> memref<1x1x128xi32, #tpu.memory_space<hbm>>
      %dma_start3A_104 = tpu.memref_squeeze %dma_start3A_103 : memref<1x1x128xi32, #tpu.memory_space<hbm>> -> memref<1x128xi32, #tpu.memory_space<hbm>>
      %dma_start3A_105 = arith.constant 0 : i32
      %dma_start3A_106 = arith.constant 0 : i32
      %dma_start3A_107 = tpu.memref_slice %arg4[%add3A_100, %dma_start3A_105, %dma_start3A_106] : memref<2560x1x128xi32, #tpu.memory_space<hbm>> -> memref<1x1x128xi32, #tpu.memory_space<hbm>>
      %dma_start3A_108 = tpu.memref_squeeze %dma_start3A_107 : memref<1x1x128xi32, #tpu.memory_space<hbm>> -> memref<1x128xi32, #tpu.memory_space<hbm>>
      tpu.enqueue_dma source(%dma_start3A_108 : memref<1x128xi32, #tpu.memory_space<hbm>>) target(%arg11 : memref<1x128xi32, #tpu.memory_space<vmem>>) target_semaphore(%arg15 : memref<!tpu.dma_semaphore, #tpu.memory_space<semaphore_mem>>)
      %add3A_109 = arith.constant 2 : i32
      %add3A_110 = arith.addi %add3A_81, %add3A_109 : i32
      %dma_start3A_111 = arith.constant 0 : i32
      %dma_start3A_112 = tpu.memref_slice %arg7[%add3A_110, %dma_start3A_111] : memref<80x128xi32, #tpu.memory_space<vmem>> -> memref<1x128xi32, #tpu.memory_space<vmem>>
      %dma_start3A_113 = tpu.memref_squeeze %dma_start3A_112 : memref<1x128xi32, #tpu.memory_space<vmem>> -> memref<128xi32, #tpu.memory_space<vmem>>
      %dma_start3A_114 = arith.constant 0 : i32
      %dma_start3A_115 = arith.constant 0 : i32
      %dma_start3A_116 = tpu.memref_slice %arg2[%dma_start3A_114, %dma_start3A_115] : memref<10112x128xf32, #tpu.memory_space<hbm>> -> memref<10112x128xf32, #tpu.memory_space<hbm>>
      tpu.enqueue_indirect_dma source(%dma_start3A_116 : memref<10112x128xf32, #tpu.memory_space<hbm>>) target(%arg9 : memref<128x128xf32, #tpu.memory_space<vmem>>) offsets(%dma_start3A_113 : memref<128xi32, #tpu.memory_space<vmem>>) semaphore(%arg13 : memref<!tpu.dma_semaphore, #tpu.memory_space<semaphore_mem>>)
      %mul3A_117 = arith.constant 2 : i32
      %mul3A_118 = arith.muli %add3A_77, %mul3A_117 : i32
      %add3A_119 = arith.constant 1 : i32
      %add3A_120 = arith.addi %mul3A_118, %add3A_119 : i32
      %dma_wait3A_121 = arith.constant 0 : i32
      %dma_wait3A_122 = arith.constant 0 : i32
      %dma_wait3A_123 = arith.constant 0 : i32
      %dma_wait3A_124 = tpu.memref_slice %arg4[%dma_wait3A_121, %dma_wait3A_122, %dma_wait3A_123] : memref<2560x1x128xi32, #tpu.memory_space<hbm>> -> memref<1x1x128xi32, #tpu.memory_space<hbm>>
      %dma_wait3A_125 = tpu.memref_squeeze %dma_wait3A_124 : memref<1x1x128xi32, #tpu.memory_space<hbm>> -> memref<1x128xi32, #tpu.memory_space<hbm>>
      %dma_wait3A_126 = arith.constant 0 : i32
      %dma_wait3A_127 = arith.constant 0 : i32
      %dma_wait3A_128 = tpu.memref_slice %arg4[%dma_wait3A_121, %dma_wait3A_126, %dma_wait3A_127] : memref<2560x1x128xi32, #tpu.memory_space<hbm>> -> memref<1x1x128xi32, #tpu.memory_space<hbm>>
      %dma_wait3A_129 = tpu.memref_squeeze %dma_wait3A_128 : memref<1x1x128xi32, #tpu.memory_space<hbm>> -> memref<1x128xi32, #tpu.memory_space<hbm>>
      tpu.wait_dma2 semaphore(%arg16 : memref<!tpu.dma_semaphore, #tpu.memory_space<semaphore_mem>>) src(%dma_wait3A_129 : memref<1x128xi32, #tpu.memory_space<hbm>>) dst(%arg12 : memref<1x128xi32, #tpu.memory_space<vmem>>)
      %dma_wait3A_130 = arith.constant 0 : i32
      %dma_wait3A_131 = arith.constant 0 : i32
      %dma_wait3A_132 = tpu.memref_slice %arg2[%dma_wait3A_130, %dma_wait3A_131] : memref<10112x128xf32, #tpu.memory_space<hbm>> -> memref<128x128xf32, #tpu.memory_space<hbm>>
      %dma_wait3A_133 = arith.constant 0 : i32
      %dma_wait3A_134 = arith.constant 0 : i32
      %dma_wait3A_135 = tpu.memref_slice %arg2[%dma_wait3A_133, %dma_wait3A_134] : memref<10112x128xf32, #tpu.memory_space<hbm>> -> memref<128x128xf32, #tpu.memory_space<hbm>>
      tpu.wait_dma2 semaphore(%arg14 : memref<!tpu.dma_semaphore, #tpu.memory_space<semaphore_mem>>) src(%dma_wait3A_135 : memref<128x128xf32, #tpu.memory_space<hbm>>) dst(%arg10 : memref<128x128xf32, #tpu.memory_space<vmem>>)
      %run_scoped3A_136 = arith.constant 0 : i32
      "tpu.region"() ({
        %run_scoped3A_156 = tpu.sem_alloc : memref<!tpu.dma_semaphore, #tpu.memory_space<semaphore_mem>>
        %dma_start3A_157 = arith.constant 0 : i32
        %dma_start3A_158 = tpu.memref_slice %arg12[%run_scoped3A_136, %dma_start3A_157] : memref<1x128xi32, #tpu.memory_space<vmem>> -> memref<1x128xi32, #tpu.memory_space<vmem>>
        %dma_start3A_159 = tpu.memref_squeeze %dma_start3A_158 : memref<1x128xi32, #tpu.memory_space<vmem>> -> memref<128xi32, #tpu.memory_space<vmem>>
        %dma_start3A_160 = arith.constant 0 : i32
        %dma_start3A_161 = arith.constant 0 : i32
        %dma_start3A_162 = tpu.memref_slice %arg8[%dma_start3A_160, %dma_start3A_161] : memref<10112x128xf32, #tpu.memory_space<vmem_shared>> -> memref<10112x128xf32, #tpu.memory_space<vmem_shared>>
        tpu.enqueue_indirect_dma source(%arg10 : memref<128x128xf32, #tpu.memory_space<vmem>>) target(%dma_start3A_162 : memref<10112x128xf32, #tpu.memory_space<vmem_shared>>) offsets(%dma_start3A_159 : memref<128xi32, #tpu.memory_space<vmem>>) semaphore(%run_scoped3A_156 : memref<!tpu.dma_semaphore, #tpu.memory_space<semaphore_mem>>) {add = true}
        %dma_wait3A_163 = arith.constant 0 : i32
        %dma_wait3A_164 = tpu.memref_slice %arg12[%run_scoped3A_136, %dma_wait3A_163] : memref<1x128xi32, #tpu.memory_space<vmem>> -> memref<1x128xi32, #tpu.memory_space<vmem>>
        %dma_wait3A_165 = tpu.memref_squeeze %dma_wait3A_164 : memref<1x128xi32, #tpu.memory_space<vmem>> -> memref<128xi32, #tpu.memory_space<vmem>>
        %dma_wait3A_166 = arith.constant 0 : i32
        %dma_wait3A_167 = arith.constant 0 : i32
        %dma_wait3A_168 = tpu.memref_slice %arg8[%dma_wait3A_166, %dma_wait3A_167] : memref<10112x128xf32, #tpu.memory_space<vmem_shared>> -> memref<10112x128xf32, #tpu.memory_space<vmem_shared>>
        tpu.wait_indirect_dma semaphore(%run_scoped3A_156 : memref<!tpu.dma_semaphore, #tpu.memory_space<semaphore_mem>>) src(%arg10 : memref<128x128xf32, #tpu.memory_space<vmem>>) dst(%dma_wait3A_168 : memref<10112x128xf32, #tpu.memory_space<vmem_shared>>)
        tpu.yield
      }) : () -> ()
      %add3A_137 = arith.addi %mul3A_4, %add3A_120 : i32
      %add3A_138 = arith.constant 2 : i32
      %add3A_139 = arith.addi %add3A_137, %add3A_138 : i32
      %dma_start3A_140 = arith.constant 0 : i32
      %dma_start3A_141 = arith.constant 0 : i32
      %dma_start3A_142 = tpu.memref_slice %arg4[%add3A_139, %dma_start3A_140, %dma_start3A_141] : memref<2560x1x128xi32, #tpu.memory_space<hbm>> -> memref<1x1x128xi32, #tpu.memory_space<hbm>>
      %dma_start3A_143 = tpu.memref_squeeze %dma_start3A_142 : memref<1x1x128xi32, #tpu.memory_space<hbm>> -> memref<1x128xi32, #tpu.memory_space<hbm>>
      %dma_start3A_144 = arith.constant 0 : i32
      %dma_start3A_145 = arith.constant 0 : i32
      %dma_start3A_146 = tpu.memref_slice %arg4[%add3A_139, %dma_start3A_144, %dma_start3A_145] : memref<2560x1x128xi32, #tpu.memory_space<hbm>> -> memref<1x1x128xi32, #tpu.memory_space<hbm>>
      %dma_start3A_147 = tpu.memref_squeeze %dma_start3A_146 : memref<1x1x128xi32, #tpu.memory_space<hbm>> -> memref<1x128xi32, #tpu.memory_space<hbm>>
      tpu.enqueue_dma source(%dma_start3A_147 : memref<1x128xi32, #tpu.memory_space<hbm>>) target(%arg12 : memref<1x128xi32, #tpu.memory_space<vmem>>) target_semaphore(%arg16 : memref<!tpu.dma_semaphore, #tpu.memory_space<semaphore_mem>>)
      %add3A_148 = arith.constant 2 : i32
      %add3A_149 = arith.addi %add3A_120, %add3A_148 : i32
      %dma_start3A_150 = arith.constant 0 : i32
      %dma_start3A_151 = tpu.memref_slice %arg7[%add3A_149, %dma_start3A_150] : memref<80x128xi32, #tpu.memory_space<vmem>> -> memref<1x128xi32, #tpu.memory_space<vmem>>
      %dma_start3A_152 = tpu.memref_squeeze %dma_start3A_151 : memref<1x128xi32, #tpu.memory_space<vmem>> -> memref<128xi32, #tpu.memory_space<vmem>>
      %dma_start3A_153 = arith.constant 0 : i32
      %dma_start3A_154 = arith.constant 0 : i32
      %dma_start3A_155 = tpu.memref_slice %arg2[%dma_start3A_153, %dma_start3A_154] : memref<10112x128xf32, #tpu.memory_space<hbm>> -> memref<10112x128xf32, #tpu.memory_space<hbm>>
      tpu.enqueue_indirect_dma source(%dma_start3A_155 : memref<10112x128xf32, #tpu.memory_space<hbm>>) target(%arg10 : memref<128x128xf32, #tpu.memory_space<vmem>>) offsets(%dma_start3A_152 : memref<128xi32, #tpu.memory_space<vmem>>) semaphore(%arg14 : memref<!tpu.dma_semaphore, #tpu.memory_space<semaphore_mem>>)
    }
    %scan3A_41 = arith.constant 39 : i32
    %dma_wait3A = arith.constant 0 : i32
    %dma_wait3A_42 = arith.constant 0 : i32
    %dma_wait3A_43 = arith.constant 0 : i32
    %dma_wait3A_44 = tpu.memref_slice %arg4[%dma_wait3A, %dma_wait3A_42, %dma_wait3A_43] : memref<2560x1x128xi32, #tpu.memory_space<hbm>> -> memref<1x1x128xi32, #tpu.memory_space<hbm>>
    %dma_wait3A_45 = tpu.memref_squeeze %dma_wait3A_44 : memref<1x1x128xi32, #tpu.memory_space<hbm>> -> memref<1x128xi32, #tpu.memory_space<hbm>>
    %dma_wait3A_46 = arith.constant 0 : i32
    %dma_wait3A_47 = arith.constant 0 : i32
    %dma_wait3A_48 = tpu.memref_slice %arg4[%dma_wait3A, %dma_wait3A_46, %dma_wait3A_47] : memref<2560x1x128xi32, #tpu.memory_space<hbm>> -> memref<1x1x128xi32, #tpu.memory_space<hbm>>
    %dma_wait3A_49 = tpu.memref_squeeze %dma_wait3A_48 : memref<1x1x128xi32, #tpu.memory_space<hbm>> -> memref<1x128xi32, #tpu.memory_space<hbm>>
    tpu.wait_dma2 semaphore(%arg15 : memref<!tpu.dma_semaphore, #tpu.memory_space<semaphore_mem>>) src(%dma_wait3A_49 : memref<1x128xi32, #tpu.memory_space<hbm>>) dst(%arg11 : memref<1x128xi32, #tpu.memory_space<vmem>>)
    %dma_wait3A_50 = arith.constant 0 : i32
    %dma_wait3A_51 = arith.constant 0 : i32
    %dma_wait3A_52 = tpu.memref_slice %arg2[%dma_wait3A_50, %dma_wait3A_51] : memref<10112x128xf32, #tpu.memory_space<hbm>> -> memref<128x128xf32, #tpu.memory_space<hbm>>
    %dma_wait3A_53 = arith.constant 0 : i32
    %dma_wait3A_54 = arith.constant 0 : i32
    %dma_wait3A_55 = tpu.memref_slice %arg2[%dma_wait3A_53, %dma_wait3A_54] : memref<10112x128xf32, #tpu.memory_space<hbm>> -> memref<128x128xf32, #tpu.memory_space<hbm>>
    tpu.wait_dma2 semaphore(%arg13 : memref<!tpu.dma_semaphore, #tpu.memory_space<semaphore_mem>>) src(%dma_wait3A_55 : memref<128x128xf32, #tpu.memory_space<hbm>>) dst(%arg9 : memref<128x128xf32, #tpu.memory_space<vmem>>)
    %run_scoped3A = arith.constant 0 : i32
    "tpu.region"() ({
      %run_scoped3A_73 = tpu.sem_alloc : memref<!tpu.dma_semaphore, #tpu.memory_space<semaphore_mem>>
      %dma_start3A_74 = arith.constant 0 : i32
      %dma_start3A_75 = tpu.memref_slice %arg11[%run_scoped3A, %dma_start3A_74] : memref<1x128xi32, #tpu.memory_space<vmem>> -> memref<1x128xi32, #tpu.memory_space<vmem>>
      %dma_start3A_76 = tpu.memref_squeeze %dma_start3A_75 : memref<1x128xi32, #tpu.memory_space<vmem>> -> memref<128xi32, #tpu.memory_space<vmem>>
      %dma_start3A_77 = arith.constant 0 : i32
      %dma_start3A_78 = arith.constant 0 : i32
      %dma_start3A_79 = tpu.memref_slice %arg8[%dma_start3A_77, %dma_start3A_78] : memref<10112x128xf32, #tpu.memory_space<vmem_shared>> -> memref<10112x128xf32, #tpu.memory_space<vmem_shared>>
      tpu.enqueue_indirect_dma source(%arg9 : memref<128x128xf32, #tpu.memory_space<vmem>>) target(%dma_start3A_79 : memref<10112x128xf32, #tpu.memory_space<vmem_shared>>) offsets(%dma_start3A_76 : memref<128xi32, #tpu.memory_space<vmem>>) semaphore(%run_scoped3A_73 : memref<!tpu.dma_semaphore, #tpu.memory_space<semaphore_mem>>) {add = true}
      %dma_wait3A_80 = arith.constant 0 : i32
      %dma_wait3A_81 = tpu.memref_slice %arg11[%run_scoped3A, %dma_wait3A_80] : memref<1x128xi32, #tpu.memory_space<vmem>> -> memref<1x128xi32, #tpu.memory_space<vmem>>
      %dma_wait3A_82 = tpu.memref_squeeze %dma_wait3A_81 : memref<1x128xi32, #tpu.memory_space<vmem>> -> memref<128xi32, #tpu.memory_space<vmem>>
      %dma_wait3A_83 = arith.constant 0 : i32
      %dma_wait3A_84 = arith.constant 0 : i32
      %dma_wait3A_85 = tpu.memref_slice %arg8[%dma_wait3A_83, %dma_wait3A_84] : memref<10112x128xf32, #tpu.memory_space<vmem_shared>> -> memref<10112x128xf32, #tpu.memory_space<vmem_shared>>
      tpu.wait_indirect_dma semaphore(%run_scoped3A_73 : memref<!tpu.dma_semaphore, #tpu.memory_space<semaphore_mem>>) src(%arg9 : memref<128x128xf32, #tpu.memory_space<vmem>>) dst(%dma_wait3A_85 : memref<10112x128xf32, #tpu.memory_space<vmem_shared>>)
      tpu.yield
    }) : () -> ()
    %dma_wait3A_56 = arith.constant 0 : i32
    %dma_wait3A_57 = arith.constant 0 : i32
    %dma_wait3A_58 = arith.constant 0 : i32
    %dma_wait3A_59 = tpu.memref_slice %arg4[%dma_wait3A_56, %dma_wait3A_57, %dma_wait3A_58] : memref<2560x1x128xi32, #tpu.memory_space<hbm>> -> memref<1x1x128xi32, #tpu.memory_space<hbm>>
    %dma_wait3A_60 = tpu.memref_squeeze %dma_wait3A_59 : memref<1x1x128xi32, #tpu.memory_space<hbm>> -> memref<1x128xi32, #tpu.memory_space<hbm>>
    %dma_wait3A_61 = arith.constant 0 : i32
    %dma_wait3A_62 = arith.constant 0 : i32
    %dma_wait3A_63 = tpu.memref_slice %arg4[%dma_wait3A_56, %dma_wait3A_61, %dma_wait3A_62] : memref<2560x1x128xi32, #tpu.memory_space<hbm>> -> memref<1x1x128xi32, #tpu.memory_space<hbm>>
    %dma_wait3A_64 = tpu.memref_squeeze %dma_wait3A_63 : memref<1x1x128xi32, #tpu.memory_space<hbm>> -> memref<1x128xi32, #tpu.memory_space<hbm>>
    tpu.wait_dma2 semaphore(%arg16 : memref<!tpu.dma_semaphore, #tpu.memory_space<semaphore_mem>>) src(%dma_wait3A_64 : memref<1x128xi32, #tpu.memory_space<hbm>>) dst(%arg12 : memref<1x128xi32, #tpu.memory_space<vmem>>)
    %dma_wait3A_65 = arith.constant 0 : i32
    %dma_wait3A_66 = arith.constant 0 : i32
    %dma_wait3A_67 = tpu.memref_slice %arg2[%dma_wait3A_65, %dma_wait3A_66] : memref<10112x128xf32, #tpu.memory_space<hbm>> -> memref<128x128xf32, #tpu.memory_space<hbm>>
    %dma_wait3A_68 = arith.constant 0 : i32
    %dma_wait3A_69 = arith.constant 0 : i32
    %dma_wait3A_70 = tpu.memref_slice %arg2[%dma_wait3A_68, %dma_wait3A_69] : memref<10112x128xf32, #tpu.memory_space<hbm>> -> memref<128x128xf32, #tpu.memory_space<hbm>>
    tpu.wait_dma2 semaphore(%arg14 : memref<!tpu.dma_semaphore, #tpu.memory_space<semaphore_mem>>) src(%dma_wait3A_70 : memref<128x128xf32, #tpu.memory_space<hbm>>) dst(%arg10 : memref<128x128xf32, #tpu.memory_space<vmem>>)
    %run_scoped3A_71 = arith.constant 0 : i32
    "tpu.region"() ({
      %run_scoped3A_73 = tpu.sem_alloc : memref<!tpu.dma_semaphore, #tpu.memory_space<semaphore_mem>>
      %dma_start3A_74 = arith.constant 0 : i32
      %dma_start3A_75 = tpu.memref_slice %arg12[%run_scoped3A_71, %dma_start3A_74] : memref<1x128xi32, #tpu.memory_space<vmem>> -> memref<1x128xi32, #tpu.memory_space<vmem>>
      %dma_start3A_76 = tpu.memref_squeeze %dma_start3A_75 : memref<1x128xi32, #tpu.memory_space<vmem>> -> memref<128xi32, #tpu.memory_space<vmem>>
      %dma_start3A_77 = arith.constant 0 : i32
      %dma_start3A_78 = arith.constant 0 : i32
      %dma_start3A_79 = tpu.memref_slice %arg8[%dma_start3A_77, %dma_start3A_78] : memref<10112x128xf32, #tpu.memory_space<vmem_shared>> -> memref<10112x128xf32, #tpu.memory_space<vmem_shared>>
      tpu.enqueue_indirect_dma source(%arg10 : memref<128x128xf32, #tpu.memory_space<vmem>>) target(%dma_start3A_79 : memref<10112x128xf32, #tpu.memory_space<vmem_shared>>) offsets(%dma_start3A_76 : memref<128xi32, #tpu.memory_space<vmem>>) semaphore(%run_scoped3A_73 : memref<!tpu.dma_semaphore, #tpu.memory_space<semaphore_mem>>) {add = true}
      %dma_wait3A_80 = arith.constant 0 : i32
      %dma_wait3A_81 = tpu.memref_slice %arg12[%run_scoped3A_71, %dma_wait3A_80] : memref<1x128xi32, #tpu.memory_space<vmem>> -> memref<1x128xi32, #tpu.memory_space<vmem>>
      %dma_wait3A_82 = tpu.memref_squeeze %dma_wait3A_81 : memref<1x128xi32, #tpu.memory_space<vmem>> -> memref<128xi32, #tpu.memory_space<vmem>>
      %dma_wait3A_83 = arith.constant 0 : i32
      %dma_wait3A_84 = arith.constant 0 : i32
      %dma_wait3A_85 = tpu.memref_slice %arg8[%dma_wait3A_83, %dma_wait3A_84] : memref<10112x128xf32, #tpu.memory_space<vmem_shared>> -> memref<10112x128xf32, #tpu.memory_space<vmem_shared>>
      tpu.wait_indirect_dma semaphore(%run_scoped3A_73 : memref<!tpu.dma_semaphore, #tpu.memory_space<semaphore_mem>>) src(%arg10 : memref<128x128xf32, #tpu.memory_space<vmem>>) dst(%dma_wait3A_85 : memref<10112x128xf32, #tpu.memory_space<vmem_shared>>)
      tpu.yield
    }) : () -> ()
    %barrier3A_72 = arith.constant 0 : index
    tpu.barrier barrier_id(%barrier3A_72)
    "tpu.region"() ({
      %run_scoped3A_73 = tpu.sem_alloc : memref<!tpu.dma_semaphore, #tpu.memory_space<semaphore_mem>>
      %dma_start3A_74 = arith.constant 0 : i32
      %dma_start3A_75 = arith.constant 0 : i32
      %dma_start3A_76 = tpu.memref_slice %arg6[%arg0, %dma_start3A_74, %dma_start3A_75] : memref<2x10112x128xf32, #tpu.memory_space<hbm>> -> memref<1x10112x128xf32, #tpu.memory_space<hbm>>
      %dma_start3A_77 = tpu.memref_squeeze %dma_start3A_76 : memref<1x10112x128xf32, #tpu.memory_space<hbm>> -> memref<10112x128xf32, #tpu.memory_space<hbm>>
      %dma_start3A_78 = arith.constant 0 : i32
      %dma_start3A_79 = tpu.memref_slice %dma_start3A_77[%mul3A_2, %dma_start3A_78] : memref<10112x128xf32, #tpu.memory_space<hbm>> -> memref<632x128xf32, #tpu.memory_space<hbm>>
      %dma_start3A_80 = arith.constant 0 : i32
      %dma_start3A_81 = tpu.memref_slice %arg8[%mul3A_2, %dma_start3A_80] : memref<10112x128xf32, #tpu.memory_space<vmem_shared>> -> memref<632x128xf32, #tpu.memory_space<vmem_shared>>
      tpu.enqueue_dma source(%dma_start3A_81 : memref<632x128xf32, #tpu.memory_space<vmem_shared>>) target(%dma_start3A_79 : memref<632x128xf32, #tpu.memory_space<hbm>>) target_semaphore(%run_scoped3A_73 : memref<!tpu.dma_semaphore, #tpu.memory_space<semaphore_mem>>)
      %dma_wait3A_82 = arith.constant 0 : i32
      %dma_wait3A_83 = arith.constant 0 : i32
      %dma_wait3A_84 = tpu.memref_slice %arg6[%arg0, %dma_wait3A_82, %dma_wait3A_83] : memref<2x10112x128xf32, #tpu.memory_space<hbm>> -> memref<1x10112x128xf32, #tpu.memory_space<hbm>>
      %dma_wait3A_85 = tpu.memref_squeeze %dma_wait3A_84 : memref<1x10112x128xf32, #tpu.memory_space<hbm>> -> memref<10112x128xf32, #tpu.memory_space<hbm>>
      %dma_wait3A_86 = arith.constant 0 : i32
      %dma_wait3A_87 = tpu.memref_slice %dma_wait3A_85[%mul3A_2, %dma_wait3A_86] : memref<10112x128xf32, #tpu.memory_space<hbm>> -> memref<632x128xf32, #tpu.memory_space<hbm>>
      %dma_wait3A_88 = arith.constant 0 : i32
      %dma_wait3A_89 = tpu.memref_slice %arg8[%mul3A_2, %dma_wait3A_88] : memref<10112x128xf32, #tpu.memory_space<vmem_shared>> -> memref<632x128xf32, #tpu.memory_space<vmem_shared>>
      tpu.wait_dma2 semaphore(%run_scoped3A_73 : memref<!tpu.dma_semaphore, #tpu.memory_space<semaphore_mem>>) src(%dma_wait3A_89 : memref<632x128xf32, #tpu.memory_space<vmem_shared>>) dst(%dma_wait3A_87 : memref<632x128xf32, #tpu.memory_space<hbm>>)
      tpu.yield
    }) : () -> ()
    return
  }
}

#map = affine_map<(d0, d1) -> (0)>
#map1 = affine_map<(d0, d1) -> (0, 0)>
#map2 = affine_map<(d0, d1) -> (0, 0, 0)>
module attributes {stable_mosaic.version = 14 : i64} {
  func.func @k(%arg0: i32, %arg1: i32, %arg2: memref<327680xi32, #tpu.memory_space<hbm>>, %arg3: memref<79x128xf32, #tpu.memory_space<hbm>>, %arg4: memref<79xi32, #tpu.memory_space<hbm>>, %arg5: memref<2x79x128xf32, #tpu.memory_space<hbm>>, %arg6: memref<10240xi32, #tpu.memory_space<vmem>>, %arg7: memref<79x128xf32, #tpu.memory_space<vmem>>, %arg8: memref<79xi32, #tpu.memory_space<vmem>>, %arg9: memref<79x128xf32, #tpu.memory_space<vmem_shared>>) attributes {dimension_semantics = [#tpu.dimension_semantics<core_parallel>, #tpu.dimension_semantics<subcore_parallel>], iteration_bounds = array<i64: 2, 16>, scalar_prefetch = 0 : i64, scratch_operands = 4 : i64, tpu.core_type = #tpu.core_type<sc_vector_subcore>, window_params = [{transform_indices = #map}, {transform_indices = #map1}, {transform_indices = #map}, {transform_indices = #map2}]} {
    %mul3A = arith.constant 16 : i32
    %mul3A_0 = arith.muli %arg0, %mul3A : i32
    %add3A = arith.addi %mul3A_0, %arg1 : i32
    %mul3A_1 = arith.constant 10240 : i32
    %mul3A_2 = arith.muli %add3A, %mul3A_1 : i32
    "tpu.region"() ({
      %run_scoped3A = tpu.sem_alloc : memref<!tpu.dma_semaphore, #tpu.memory_space<semaphore_mem>>
      %dma_start3A = tpu.memref_slice %arg2[%mul3A_2] : memref<327680xi32, #tpu.memory_space<hbm>> -> memref<10240xi32, #tpu.memory_space<hbm>>
      %dma_start3A_15 = tpu.memref_slice %arg2[%mul3A_2] : memref<327680xi32, #tpu.memory_space<hbm>> -> memref<10240xi32, #tpu.memory_space<hbm>>
      tpu.enqueue_dma source(%dma_start3A_15 : memref<10240xi32, #tpu.memory_space<hbm>>) target(%arg6 : memref<10240xi32, #tpu.memory_space<vmem>>) target_semaphore(%run_scoped3A : memref<!tpu.dma_semaphore, #tpu.memory_space<semaphore_mem>>)
      %dma_wait3A = tpu.memref_slice %arg2[%mul3A_2] : memref<327680xi32, #tpu.memory_space<hbm>> -> memref<10240xi32, #tpu.memory_space<hbm>>
      %dma_wait3A_16 = tpu.memref_slice %arg2[%mul3A_2] : memref<327680xi32, #tpu.memory_space<hbm>> -> memref<10240xi32, #tpu.memory_space<hbm>>
      tpu.wait_dma2 semaphore(%run_scoped3A : memref<!tpu.dma_semaphore, #tpu.memory_space<semaphore_mem>>) src(%dma_wait3A_16 : memref<10240xi32, #tpu.memory_space<hbm>>) dst(%arg6 : memref<10240xi32, #tpu.memory_space<vmem>>)
      tpu.yield
    }) : () -> ()
    "tpu.region"() ({
      %run_scoped3A = tpu.sem_alloc : memref<!tpu.dma_semaphore, #tpu.memory_space<semaphore_mem>>
      tpu.enqueue_dma source(%arg3 : memref<79x128xf32, #tpu.memory_space<hbm>>) target(%arg7 : memref<79x128xf32, #tpu.memory_space<vmem>>) target_semaphore(%run_scoped3A : memref<!tpu.dma_semaphore, #tpu.memory_space<semaphore_mem>>)
      tpu.wait_dma2 semaphore(%run_scoped3A : memref<!tpu.dma_semaphore, #tpu.memory_space<semaphore_mem>>) src(%arg3 : memref<79x128xf32, #tpu.memory_space<hbm>>) dst(%arg7 : memref<79x128xf32, #tpu.memory_space<vmem>>)
      tpu.yield
    }) : () -> ()
    "tpu.region"() ({
      %run_scoped3A = tpu.sem_alloc : memref<!tpu.dma_semaphore, #tpu.memory_space<semaphore_mem>>
      tpu.enqueue_dma source(%arg4 : memref<79xi32, #tpu.memory_space<hbm>>) target(%arg8 : memref<79xi32, #tpu.memory_space<vmem>>) target_semaphore(%run_scoped3A : memref<!tpu.dma_semaphore, #tpu.memory_space<semaphore_mem>>)
      tpu.wait_dma2 semaphore(%run_scoped3A : memref<!tpu.dma_semaphore, #tpu.memory_space<semaphore_mem>>) src(%arg4 : memref<79xi32, #tpu.memory_space<hbm>>) dst(%arg8 : memref<79xi32, #tpu.memory_space<vmem>>)
      tpu.yield
    }) : () -> ()
    %eq3A = arith.constant 0 : i32
    %eq3A_3 = arith.cmpi eq, %arg1, %eq3A : i32
    %convert_element_type3A = arith.extui %eq3A_3 : i1 to i32
    %cond3A = arith.constant 0 : i32
    %cond3A_4 = arith.cmpi ne, %convert_element_type3A, %cond3A : i32
    scf.if %cond3A_4 {
      "tpu.region"() ({
        %run_scoped3A = tpu.sem_alloc : memref<!tpu.dma_semaphore, #tpu.memory_space<semaphore_mem>>
        tpu.enqueue_dma source(%arg3 : memref<79x128xf32, #tpu.memory_space<hbm>>) target(%arg9 : memref<79x128xf32, #tpu.memory_space<vmem_shared>>) target_semaphore(%run_scoped3A : memref<!tpu.dma_semaphore, #tpu.memory_space<semaphore_mem>>)
        tpu.wait_dma2 semaphore(%run_scoped3A : memref<!tpu.dma_semaphore, #tpu.memory_space<semaphore_mem>>) src(%arg3 : memref<79x128xf32, #tpu.memory_space<hbm>>) dst(%arg9 : memref<79x128xf32, #tpu.memory_space<vmem_shared>>)
        tpu.yield
      }) : () -> ()
    } else {
    }
    %scan3A = arith.constant 0 : i32
    %scan3A_5 = arith.constant 640 : i32
    %scan3A_6 = arith.addi %scan3A, %scan3A_5 : i32
    %scan3A_7 = arith.constant 1 : i32
    scf.for %scan3A_15 = %scan3A to %scan3A_6 step %scan3A_7  : i32 {
      %mul3A_16 = arith.constant 1 : i32
      %mul3A_17 = arith.muli %scan3A_15, %mul3A_16 : i32
      %add3A_18 = arith.constant 0 : i32
      %add3A_19 = arith.addi %add3A_18, %mul3A_17 : i32
      %mul3A_20 = arith.constant 16 : i32
      %mul3A_21 = arith.muli %add3A_19, %mul3A_20 : i32
      %get3A = arith.index_cast %mul3A_21 : i32 to index
      %get3A_22 = tpu.vector_load %arg6[%get3A] {strides = array<i32>} : memref<10240xi32, #tpu.memory_space<vmem>>, vector<16xi32>,
      %shift_right_logical3A = arith.constant 7 : i32
      %shift_right_logical3A_23 = vector.broadcast %shift_right_logical3A : i32 to vector<16xi32>
      %shift_right_logical3A_24 = arith.shrui %get3A_22, %shift_right_logical3A_23 : vector<16xi32>
      %and3A = arith.constant 127 : i32
      %and3A_25 = vector.broadcast %and3A : i32 to vector<16xi32>
      %and3A_26 = arith.andi %get3A_22, %and3A_25 : vector<16xi32>
      %broadcast_in_dim3A = arith.constant 1.000000e+00 : f32
      %broadcast_in_dim3A_27 = vector.broadcast %broadcast_in_dim3A : f32 to vector<16xf32>
      tpu.vector_store_idx %arg7[%shift_right_logical3A_24, %and3A_26], %broadcast_in_dim3A_27 {add = true} : memref<79x128xf32, #tpu.memory_space<vmem>>[vector<16xi32>, vector<16xi32>], vector<16xf32>,
    }
    %scan3A_8 = arith.constant 640 : i32
    %barrier3A = arith.constant 0 : index
    tpu.barrier barrier_id(%barrier3A)
    "tpu.region"() ({
      %run_scoped3A = tpu.sem_alloc : memref<!tpu.dma_semaphore, #tpu.memory_space<semaphore_mem>>
      %dma_start3A = arith.constant 0 : i32
      %dma_start3A_15 = arith.constant 0 : i32
      %dma_start3A_16 = tpu.memref_slice %arg9[%dma_start3A, %dma_start3A_15] : memref<79x128xf32, #tpu.memory_space<vmem_shared>> -> memref<79x128xf32, #tpu.memory_space<vmem_shared>>
      tpu.enqueue_indirect_dma source(%arg7 : memref<79x128xf32, #tpu.memory_space<vmem>>) target(%dma_start3A_16 : memref<79x128xf32, #tpu.memory_space<vmem_shared>>) offsets(%arg8 : memref<79xi32, #tpu.memory_space<vmem>>) semaphore(%run_scoped3A : memref<!tpu.dma_semaphore, #tpu.memory_space<semaphore_mem>>) {add = true}
      %dma_wait3A = arith.constant 0 : i32
      %dma_wait3A_17 = arith.constant 0 : i32
      %dma_wait3A_18 = tpu.memref_slice %arg9[%dma_wait3A, %dma_wait3A_17] : memref<79x128xf32, #tpu.memory_space<vmem_shared>> -> memref<79x128xf32, #tpu.memory_space<vmem_shared>>
      tpu.wait_indirect_dma semaphore(%run_scoped3A : memref<!tpu.dma_semaphore, #tpu.memory_space<semaphore_mem>>) src(%arg7 : memref<79x128xf32, #tpu.memory_space<vmem>>) dst(%dma_wait3A_18 : memref<79x128xf32, #tpu.memory_space<vmem_shared>>)
      tpu.yield
    }) : () -> ()
    %barrier3A_9 = arith.constant 0 : index
    tpu.barrier barrier_id(%barrier3A_9)
    %eq3A_10 = arith.constant 0 : i32
    %eq3A_11 = arith.cmpi eq, %arg1, %eq3A_10 : i32
    %convert_element_type3A_12 = arith.extui %eq3A_11 : i1 to i32
    %cond3A_13 = arith.constant 0 : i32
    %cond3A_14 = arith.cmpi ne, %convert_element_type3A_12, %cond3A_13 : i32
    scf.if %cond3A_14 {
      "tpu.region"() ({
        %run_scoped3A = tpu.sem_alloc : memref<!tpu.dma_semaphore, #tpu.memory_space<semaphore_mem>>
        %dma_start3A = arith.constant 0 : i32
        %dma_start3A_15 = arith.constant 0 : i32
        %dma_start3A_16 = tpu.memref_slice %arg5[%arg0, %dma_start3A, %dma_start3A_15] : memref<2x79x128xf32, #tpu.memory_space<hbm>> -> memref<1x79x128xf32, #tpu.memory_space<hbm>>
        %dma_start3A_17 = tpu.memref_squeeze %dma_start3A_16 : memref<1x79x128xf32, #tpu.memory_space<hbm>> -> memref<79x128xf32, #tpu.memory_space<hbm>>
        tpu.enqueue_dma source(%arg9 : memref<79x128xf32, #tpu.memory_space<vmem_shared>>) target(%dma_start3A_17 : memref<79x128xf32, #tpu.memory_space<hbm>>) target_semaphore(%run_scoped3A : memref<!tpu.dma_semaphore, #tpu.memory_space<semaphore_mem>>)
        %dma_wait3A = arith.constant 0 : i32
        %dma_wait3A_18 = arith.constant 0 : i32
        %dma_wait3A_19 = tpu.memref_slice %arg5[%arg0, %dma_wait3A, %dma_wait3A_18] : memref<2x79x128xf32, #tpu.memory_space<hbm>> -> memref<1x79x128xf32, #tpu.memory_space<hbm>>
        %dma_wait3A_20 = tpu.memref_squeeze %dma_wait3A_19 : memref<1x79x128xf32, #tpu.memory_space<hbm>> -> memref<79x128xf32, #tpu.memory_space<hbm>>
        tpu.wait_dma2 semaphore(%run_scoped3A : memref<!tpu.dma_semaphore, #tpu.memory_space<semaphore_mem>>) src(%arg9 : memref<79x128xf32, #tpu.memory_space<vmem_shared>>) dst(%dma_wait3A_20 : memref<79x128xf32, #tpu.memory_space<hbm>>)
        tpu.yield
      }) : () -> ()
    } else {
    }
    return
  }
}

module attributes {stable_mosaic.version = 14 : i64} {
  func.func @_matmul_body(%arg0: memref<10000x128xf32, #tpu.memory_space<vmem>>, %arg1: memref<128x128xf32, #tpu.memory_space<vmem>>, %arg2: memref<10000x128xf32, #tpu.memory_space<vmem>>) attributes {dimension_semantics = [], scalar_prefetch = 0 : i64, scratch_operands = 0 : i64, tpu.core_type = #tpu.core_type<tc>} {
    %get3A = arith.constant 0 : index
    %get3A_0 = arith.constant 0 : index
    %get3A_1 = vector.load %arg0[%get3A, %get3A_0] : memref<10000x128xf32, #tpu.memory_space<vmem>>, vector<10000x128xf32>
    %get3A_2 = arith.constant 0 : index
    %get3A_3 = arith.constant 0 : index
    %get3A_4 = vector.load %arg1[%get3A_2, %get3A_3] : memref<128x128xf32, #tpu.memory_space<vmem>>, vector<128x128xf32>
    %dot_general3A = arith.constant dense<0.000000e+00> : vector<10000x128xf32>
    %dot_general3A_5 = tpu.matmul %get3A_1, %get3A_4, %dot_general3A {dimension_numbers = #tpu.dot_dimension_numbers<[1], [0], [0], [1], [0, 0, 1, 1], [], []>, transpose_lhs_hint = false} : vector<10000x128xf32>, vector<128x128xf32>, vector<10000x128xf32> -> vector<10000x128xf32>
    %swap3A = arith.constant 0 : index
    %swap3A_6 = arith.constant 0 : index
    %swap3A_7 = vector.load %arg2[%swap3A, %swap3A_6] : memref<10000x128xf32, #tpu.memory_space<vmem>>, vector<10000x128xf32>
    tpu.vector_store %arg2[%swap3A, %swap3A_6], %dot_general3A_5 {strides = array<i32>} : memref<10000x128xf32, #tpu.memory_space<vmem>>, vector<10000x128xf32>,
    return
  }
}

module attributes {stable_mosaic.version = 14 : i64} {
  func.func @_scale_body(%arg0: memref<2x10112x1xf32, #tpu.memory_space<vmem>>, %arg1: memref<10000x128xf32, #tpu.memory_space<vmem>>, %arg2: memref<10112x128xf32, #tpu.memory_space<vmem>>) attributes {dimension_semantics = [], scalar_prefetch = 0 : i64, scratch_operands = 0 : i64, tpu.core_type = #tpu.core_type<tc>} {
    %get3A = arith.constant 0 : index
    %get3A_0 = arith.constant 0 : index
    %get3A_1 = arith.constant 0 : index
    %get3A_2 = vector.load %arg0[%get3A, %get3A_0, %get3A_1] : memref<2x10112x1xf32, #tpu.memory_space<vmem>>, vector<1x10000x1xf32>
    %get3A_3 = vector.shape_cast %get3A_2 : vector<1x10000x1xf32> to vector<10000x1xf32>
    %get3A_4 = arith.constant 1 : index
    %get3A_5 = arith.constant 0 : index
    %get3A_6 = arith.constant 0 : index
    %get3A_7 = vector.load %arg0[%get3A_4, %get3A_5, %get3A_6] : memref<2x10112x1xf32, #tpu.memory_space<vmem>>, vector<1x10000x1xf32>
    %get3A_8 = vector.shape_cast %get3A_7 : vector<1x10000x1xf32> to vector<10000x1xf32>
    %add3A = arith.addf %get3A_3, %get3A_8 : vector<10000x1xf32>
    %add3A_9 = arith.constant 1.000000e+00 : f32
    %add3A_10 = vector.broadcast %add3A_9 : f32 to vector<10000x1xf32>
    %add3A_11 = arith.addf %add3A, %add3A_10 : vector<10000x1xf32>
    %get3A_12 = arith.constant 0 : index
    %get3A_13 = arith.constant 0 : index
    %get3A_14 = vector.load %arg1[%get3A_12, %get3A_13] : memref<10000x128xf32, #tpu.memory_space<vmem>>, vector<10000x128xf32>
    %rsqrt3A = math.rsqrt %add3A_11 : vector<10000x1xf32>
    %mul3A = vector.broadcast %rsqrt3A : vector<10000x1xf32> to vector<10000x128xf32>
    %mul3A_15 = arith.mulf %get3A_14, %mul3A : vector<10000x128xf32>
    %swap3A = arith.constant 0 : index
    %swap3A_16 = arith.constant 0 : index
    %swap3A_17 = vector.load %arg2[%swap3A, %swap3A_16] : memref<10112x128xf32, #tpu.memory_space<vmem>>, vector<10000x128xf32>
    tpu.vector_store %arg2[%swap3A, %swap3A_16], %mul3A_15 {strides = array<i32>} : memref<10112x128xf32, #tpu.memory_space<vmem>>, vector<10000x128xf32>,
    %broadcast_in_dim3A = arith.constant 0.000000e+00 : f32
    %broadcast_in_dim3A_18 = vector.broadcast %broadcast_in_dim3A : f32 to vector<112x128xf32>
    %swap3A_19 = arith.constant 10000 : index
    %swap3A_20 = arith.constant 0 : index
    %swap3A_21 = vector.load %arg2[%swap3A_19, %swap3A_20] : memref<10112x128xf32, #tpu.memory_space<vmem>>, vector<112x128xf32>
    tpu.vector_store %arg2[%swap3A_19, %swap3A_20], %broadcast_in_dim3A_18 {strides = array<i32>} : memref<10112x128xf32, #tpu.memory_space<vmem>>, vector<112x128xf32>,
    return
  }
}

module attributes {stable_mosaic.version = 14 : i64} {
  func.func @_combine_body(%arg0: memref<2x10112x128xf32, #tpu.memory_space<vmem>>, %arg1: memref<10112x128xf32, #tpu.memory_space<vmem>>, %arg2: memref<2x10112x1xf32, #tpu.memory_space<vmem>>, %arg3: memref<1x128xf32, #tpu.memory_space<vmem>>, %arg4: memref<10000x128xf32, #tpu.memory_space<vmem>>) attributes {dimension_semantics = [], scalar_prefetch = 0 : i64, scratch_operands = 0 : i64, tpu.core_type = #tpu.core_type<tc>} {
    %get3A = arith.constant 0 : index
    %get3A_0 = arith.constant 0 : index
    %get3A_1 = arith.constant 0 : index
    %get3A_2 = vector.load %arg2[%get3A, %get3A_0, %get3A_1] : memref<2x10112x1xf32, #tpu.memory_space<vmem>>, vector<1x10000x1xf32>
    %get3A_3 = vector.shape_cast %get3A_2 : vector<1x10000x1xf32> to vector<10000x1xf32>
    %get3A_4 = arith.constant 1 : index
    %get3A_5 = arith.constant 0 : index
    %get3A_6 = arith.constant 0 : index
    %get3A_7 = vector.load %arg2[%get3A_4, %get3A_5, %get3A_6] : memref<2x10112x1xf32, #tpu.memory_space<vmem>>, vector<1x10000x1xf32>
    %get3A_8 = vector.shape_cast %get3A_7 : vector<1x10000x1xf32> to vector<10000x1xf32>
    %add3A = arith.addf %get3A_3, %get3A_8 : vector<10000x1xf32>
    %add3A_9 = arith.constant 1.000000e+00 : f32
    %add3A_10 = vector.broadcast %add3A_9 : f32 to vector<10000x1xf32>
    %add3A_11 = arith.addf %add3A, %add3A_10 : vector<10000x1xf32>
    %get3A_12 = arith.constant 0 : index
    %get3A_13 = arith.constant 0 : index
    %get3A_14 = arith.constant 0 : index
    %get3A_15 = vector.load %arg0[%get3A_12, %get3A_13, %get3A_14] : memref<2x10112x128xf32, #tpu.memory_space<vmem>>, vector<1x10000x128xf32>
    %get3A_16 = vector.shape_cast %get3A_15 : vector<1x10000x128xf32> to vector<10000x128xf32>
    %get3A_17 = arith.constant 1 : index
    %get3A_18 = arith.constant 0 : index
    %get3A_19 = arith.constant 0 : index
    %get3A_20 = vector.load %arg0[%get3A_17, %get3A_18, %get3A_19] : memref<2x10112x128xf32, #tpu.memory_space<vmem>>, vector<1x10000x128xf32>
    %get3A_21 = vector.shape_cast %get3A_20 : vector<1x10000x128xf32> to vector<10000x128xf32>
    %add3A_22 = arith.addf %get3A_16, %get3A_21 : vector<10000x128xf32>
    %get3A_23 = arith.constant 0 : index
    %get3A_24 = arith.constant 0 : index
    %get3A_25 = vector.load %arg1[%get3A_23, %get3A_24] : memref<10112x128xf32, #tpu.memory_space<vmem>>, vector<10000x128xf32>
    %add3A_26 = arith.addf %add3A_22, %get3A_25 : vector<10000x128xf32>
    %rsqrt3A = math.rsqrt %add3A_11 : vector<10000x1xf32>
    %mul3A = vector.broadcast %rsqrt3A : vector<10000x1xf32> to vector<10000x128xf32>
    %mul3A_27 = arith.mulf %add3A_26, %mul3A : vector<10000x128xf32>
    %get3A_28 = arith.constant 0 : index
    %get3A_29 = arith.constant 0 : index
    %get3A_30 = vector.load %arg3[%get3A_28, %get3A_29] : memref<1x128xf32, #tpu.memory_space<vmem>>, vector<1x128xf32>
    %add3A_31 = vector.broadcast %get3A_30 : vector<1x128xf32> to vector<10000x128xf32>
    %add3A_32 = arith.addf %mul3A_27, %add3A_31 : vector<10000x128xf32>
    %swap3A = arith.constant 0 : index
    %swap3A_33 = arith.constant 0 : index
    %swap3A_34 = vector.load %arg4[%swap3A, %swap3A_33] : memref<10000x128xf32, #tpu.memory_space<vmem>>, vector<10000x128xf32>
    tpu.vector_store %arg4[%swap3A, %swap3A_33], %add3A_32 {strides = array<i32>} : memref<10000x128xf32, #tpu.memory_space<vmem>>, vector<10000x128xf32>,
    return
  }
}

</mosaic_0001>

<sc_bundles>
// kernel: kernel.10.cloned.1.call-start
scs
__scs_entry_jumppad:
0x0: {  	(pc) =	sbr.rel $0x88, $3  }
0x1: {  	(tag) =	ssettag $0x0;
	lr =	simm.s32 $0x1  }
0x2: {  	[smem:$0x3F9D] =	sst lr;
	_ =	strace $0xD0000000  }
0x3: {  	_ = 	snop  }
0x4: {  	_ = 	snop  }
0x5: {  	_ = 	snop  }
0x6: {  	_ = 	snop  }
0x7: {  	_ = 	snop  }
__scs_overlays_trampoline_lowered:
0x8: {  	[smem:$0x3FAC] =	sst s0  }
0x9: {  	[smem:$0x3FAD] =	sst s1  }
0xa: {  	[smem:$0x3FAE] =	sst s2  }
0xb: {  	[smem:$0x3FAF] =	sst s3  }
0xc: {  	[smem:$0x3FB0] =	sst s4  }
0xd: {  	[smem:$0x3FB1] =	sst s5  }
0xe: {  	[smem:$0x3FB2] =	sst s6  }
0xf: {  	[smem:$0x3FB3] =	sst s7  }
0x10: {  	[smem:$0x3FB4] =	sst s8  }
0x11: {  	[smem:$0x3FB5] =	sst s9;
	s0 =	simm.s32 @!p0 $0x0  }
0x12: {  	s1 =	sld [smem:$0x3F9B];
	s0 =	simm.s32 @p0 $0x1  }
0x13: {  	[smem:$0x3FB6] =	sst s0;
	s0 =	simm.s32 @!p1 $0x0  }
0x14: {  	s2 =	sld [smem:$0x3F9A];
	s0 =	simm.s32 @p1 $0x1  }
0x15: {  	[smem:$0x3FB7] =	sst s0;
	s0 =	simm.s32 @!p2 $0x0  }
0x16: {  	s3 =	sld [smem:$0x3FDB];
	s0 =	simm.s32 @p2 $0x1  }
0x17: {  	s4 =	simm.s32 $0x1BF5;
	[smem:$0x3FB9] =	sst s0  }
0x18: {  	s0 =	sld [smem:$0x3F9C];
	_ =	swait.ge [sflag:s4], $0x0  }
0x19: {  	s7 =	sld [smem:$0x3F9D]  }
0x1a: {  	s8 =	sadd.s32 $0xFFFFE003, lr  }
0x1b: {  	s9 =	sadd.s32 $0xFFFFFEF7, lr;
	s5 =	simm.s32 $0xFFFFFFFF;
	p2 =	slt.u32 s8, $0xFFFFF086  }
0x1c: {  	p1 =	slt.u32 s9, $0xF7A;
	s5 =	simm.s32 @!p2 $0x0  }
0x1d: {  	s5 =	simm.s32 @p1 $0x1;
	p0 =	seq.s32 s7, s2  }
0x1e: {  	s7 =	smul.u32 @!p0 $0xF7A, s2;
	p2 =	seq.s32 @!p0 s5, $0x0  }
0x1f: {  	s9 =	smul.u32 $0xF7A, s1;
	s8 =	simm.s32 @!p0 $0x1BF5;
	p2 =	por !p2, p0  }
0x20: {  	[sflag:s8] =	ssyncset.s32 @!p0 $0xFFFFF086;
	s6 =	sadd.s32 @!p0 s3, s7;
	s7 =	simm.s32 @!p0 $0x108  }
0x21: {  	s3 =	sadd.s32 s3, s9;
	s6 =	sadd.s32 @!p0 $0x88, s6;
	s7 =	simm.s32 @p2 $0x1082  }
0x22: {  	[simem:s7], [sflag:s8] =	dma.local @!p0 [hbm:s6], $0xF7A  }
0x23: {  	s9 =	sor.u32 $0xD0000000, s2;
	s6 =	simm.s32 $0x108;
	_ =	swait.ge @!p0 [sflag:s8], $0x0  }
0x24: {  	s3 =	sadd.s32 $0x88, s3;
	s6 =	simm.s32 @!p1 $0x1082;
	[sflag:s4] =	ssyncset.s32 $0xFFFFF086  }
0x25: {  	[simem:s6], [sflag:s4] =	dma.local [hbm:s3], $0xF7A  }
0x26: {  	[smem:$0x3F9D] =	sst s1;
	(tag) =	ssettag s2;
	_ =	strace s9  }
0x27: {  	s1 =	sld [smem:$0x3FAD]  }
0x28: {  	s2 =	sld [smem:$0x3FAE]  }
0x29: {  	s4 =	sld [smem:$0x3FB0]  }
0x2a: {  	p0 =	seq.s32 s5, $0x0;
	s5 =	sld [smem:$0x3FB1]  }
0x2b: {  	s6 =	sld [smem:$0x3FB2]  }
0x2c: {  	s7 =	sld [smem:$0x3FB3]  }
0x2d: {  	s3 =	simm.s32 $0x108;
	s8 =	sld [smem:$0x3FB4]  }
0x2e: {  	s3 =	simm.s32 @!p0 $0x1082;
	s9 =	sld [smem:$0x3FB5]  }
0x2f: {  	lr =	sadd.s32 s0, s3;
	s0 =	sld [smem:$0x3FAC]  }
0x30: {  	s3 =	sld [smem:$0x3FAF]  }
0x31: {  	[smem:$0x3FB8] =	sst s10  }
0x32: {  	s10 =	sld [smem:$0x3FB6];
	_ =	sdelay $0x3  }
0x33: {  	p0 =	seq.s32 s10, $0x1;
	s10 =	sld [smem:$0x3FB8];
	_ =	sdelay $0x3  }
0x34: {  	[smem:$0x3FB8] =	sst s10  }
0x35: {  	s10 =	sld [smem:$0x3FB7];
	_ =	sdelay $0x3  }
0x36: {  	p1 =	seq.s32 s10, $0x1;
	s10 =	sld [smem:$0x3FB8];
	_ =	sdelay $0x3  }
0x37: {  	[smem:$0x3FB8] =	sst s10  }
0x38: {  	s10 =	sld [smem:$0x3FB9]  }
0x39: {  	_ = 	snop;
	(pc) =	sbr.ind lr, $3  }
0x3a: {  	_ = 	snop  }
0x3b: {  	_ = 	snop  }
0x3c: {  	p2 =	seq.s32 s10, $0x1;
	s10 =	sld [smem:$0x3FB8]  }
0x3d: {  	_ =	shalt  }
0x3e: {  	_ =	shalt  }
0x3f: {  	_ =	shalt  }
0x40: {  	_ =	shalt  }
0x41: {  	_ =	shalt  }
0x42: {  	_ =	shalt  }
0x43: {  	_ =	shalt  }
0x44: {  	_ =	shalt  }
0x45: {  	_ =	shalt  }
0x46: {  	_ =	shalt  }
0x47: {  	_ =	shalt  }
0x48: {  	_ =	shalt  }
0x49: {  	_ =	shalt  }
0x4a: {  	_ =	shalt  }
0x4b: {  	_ =	shalt  }
0x4c: {  	_ =	shalt  }
0x4d: {  	_ =	shalt  }
0x4e: {  	_ =	shalt  }
0x4f: {  	_ =	shalt  }
0x50: {  	_ =	shalt  }
0x51: {  	_ =	shalt  }
0x52: {  	_ =	shalt  }
0x53: {  	_ =	shalt  }
0x54: {  	_ =	shalt  }
0x55: {  	_ =	shalt  }
0x56: {  	_ =	shalt  }
0x57: {  	_ =	shalt  }
0x58: {  	_ =	shalt  }
0x59: {  	_ =	shalt  }
0x5a: {  	_ =	shalt  }
0x5b: {  	_ =	shalt  }
0x5c: {  	_ =	shalt  }
0x5d: {  	_ =	shalt  }
0x5e: {  	_ =	shalt  }
0x5f: {  	_ =	shalt  }
0x60: {  	_ =	shalt  }
0x61: {  	_ =	shalt  }
0x62: {  	_ =	shalt  }
0x63: {  	_ =	shalt  }
0x64: {  	_ =	shalt  }
0x65: {  	_ =	shalt  }
0x66: {  	_ =	shalt  }
0x67: {  	_ =	shalt  }
0x68: {  	_ =	shalt  }
0x69: {  	_ =	shalt  }
0x6a: {  	_ =	shalt  }
0x6b: {  	_ =	shalt  }
0x6c: {  	_ =	shalt  }
0x6d: {  	_ =	shalt  }
0x6e: {  	_ =	shalt  }
0x6f: {  	_ =	shalt  }
0x70: {  	_ =	shalt  }
0x71: {  	_ =	shalt  }
0x72: {  	_ =	shalt  }
0x73: {  	_ =	shalt  }
0x74: {  	_ =	shalt  }
0x75: {  	_ =	shalt  }
0x76: {  	_ =	shalt  }
0x77: {  	_ =	shalt  }
0x78: {  	_ =	shalt  }
0x79: {  	_ =	shalt  }
0x7a: {  	_ =	shalt  }
0x7b: {  	_ =	shalt  }
0x7c: {  	_ =	shalt  }
0x7d: {  	_ =	shalt  }
0x7e: {  	_ =	shalt  }
0x7f: {  	_ =	shalt  }
0x80: {  	_ =	shalt  }
0x81: {  	_ =	shalt  }
0x82: {  	_ =	shalt  }
0x83: {  	_ =	shalt  }
0x84: {  	_ =	shalt  }
0x85: {  	_ =	shalt  }
0x86: {  	_ =	shalt  }
0x87: {  	_ =	shalt  }
.Lfunc_end0:
.L_simem_size_0:
called_computation.1_lowered:
.L_overlay_start_0:
0x88: {  	s2 =	sld [smem:$0x3FD9]  }
0x89: {  	s3 =	sld [smem:$0x3FFE];
	_ =	sdelay $0x1  }
0x8a: {  	s1 =	srdreg.scid  }
0x8b: {  	s0 =	sand.u32 $0x1, s1  }
0x8c: {  	s17 =	sshll.u32 s0, $0xA;
	s2 =	sadd.s32 s3, s2  }
0x8d: {  	s2 =	sadd.s32 s2, s17  }
0x8e: {  	[smem:$0x3FC4] =	sst s2  }
0x8f: {  	_ = 	snop  }
0x90: {  	s2 =	sld [smem:$0x3FD0];
	(tm) =	ssettm $0x1  }
0x91: {  	s18 =	sld [smem:$0x3FFB];
	_ =	sdelay $0x3  }
0x92: {  	_ =	strace s18  }
0x93: {  	s3 =	sld [smem:$0x3FFC];
	_ =	sdelay $0x3  }
0x94: {  	_ =	strace s3  }
0x95: {  	s3 =	sld [smem:$0x3FFD];
	_ =	sdelay $0x3  }
0x96: {  	_ =	strace s3  }
0x97: {  	_ =	strace $0x8FFFFFFF  }
0x98: {  	s19 =	sld [smem:$0x3FDB];
	_ =	sdelay $0x1  }
0x99: {  	s4 =	simm.s32 $_scs_section_size  }
0x9a: {  	s5 =	simm.s32 $_size__tile_overlayer_lowered;
	s6 =	simm.s32 $_tile_overlayer_lowered  }
0x9b: {  	s22 =	simm.s32 $0x1BFF;
	s21 =	sshll.u32 s6, $0x1;
	s3 =	sadd.s32 s4, s19  }
0x9c: {  	s7 =	simm.s32 $0x0;
	s20 =	sshll.u32 s5, $0x1;
	s5 =	sadd.s32 s21, s3  }
0x9d: {  	[timem:s7], [sflag:s22] =	dma.local [hbm:s5], s20  }
0x9e: {  	_ =	swait.ge [sflag:s22], s20  }
0x9f: {  	s4 =	ssub.s32 $0x0, s20;
	[sflag:s22] =	ssyncset.done $0x0  }
0xa0: {  	[sflag:s22] =	ssyncadd.s32 s4;
	_ =	sdelay $0x1  }
0xa1: {  	s23 =	simm.s32 $0x1B8B  }
0xa2: {  	_ =	swait.ge [sflag:s23], $0x1  }
0xa3: {  	[sflag:s23] =	ssyncset.done $0x0  }
0xa4: {  	s25 =	simm.s32 $0x1B8E;
	s24 =	sld [smem:$0x3FFE];
	[sflag:s23] =	ssyncadd.s32 $0xFFFFFFFF  }
0xa5: {  	s26 =	simm.s32 $execute0_lowered;
	[smem:$0x3FD2] =	sst s25  }
0xa6: {  	s5 =	sshll.u32 s26, $0x1;
	_ =	strace $0x80000049;
	[dreg:$0x1] =	wrdreg $0xFFFFFFFF  }
0xa7: {  	s28 =	simm.s32 $_size_execute0_lowered;
	s3 =	sadd.s32 s3, s5;
	[dreg:$0x0] =	wrdreg $0x0  }
0xa8: {  	s5 =	sshll.u32 s28, $0x1;
	[dreg:$0x2] =	wrdreg s3  }
0xa9: {  	[dreg:$0x3] =	wrdreg s5  }
0xaa: {  	[dreg:$0x4] =	wrdreg $0xC0  }
0xab: {  	_ =	task [dreg:s7], $0x5FFFF  }
0xac: {  	[dreg:$0x1] =	wrdreg $0xFFFFFFFF  }
0xad: {  	[dreg:$0x0] =	wrdreg $0x60  }
0xae: {  	[dreg:$0x2] =	wrdreg s24  }
0xaf: {  	[dreg:$0x3] =	wrdreg s2  }
0xb0: {  	[dreg:$0x4] =	wrdreg $0x28000  }
0xb1: {  	[dreg:$0x5] =	wrdreg $0x9  }
0xb2: {  	_ =	task.clear_ibuf [dreg:s7], $0x6FFFF;
	_ =	strace $0x90000049  }
0xb3: {  	s29 =	simm.s32 $0x9;
	_ =	strace $0x8000004B  }
0xb4: {  	_ =	swait.ge [sflag:s29], $0x1  }
0xb5: {  	[sflag:s29] =	ssyncadd.s32 $0xFFFFFFFF  }
0xb6: {  	_ =	strace $0x9000004B  }
0xb7: {  	_ =	sfence  }
0xb8: {  	s30 =	sld [smem:$0x0];
	_ =	sdelay $0x2  }
0xb9: {  	s31 =	sshll.u32 s1, $0xD;
	s1 =	sshrl.u32 s1, $0x2  }
0xba: {  	s3 =	sand.u32 $0x4000, s31;
	s1 =	sadd.s32 s1, s30  }
0xbb: {  	s0 =	sor.u32 s3, s0;
	s1 =	sshll.u32 s1, $0x11  }
0xbc: {  	s0 =	sor.u32 s1, s0  }
0xbd: {  	s0 =	sadd.s32 $0x8F2B, s0  }
0xbe: {  	[sflag:s0] =	ssyncadd.remote.s32 $0x1  }
0xbf: {  	_ =	sfence.sel $0xFFFF  }
0xc0: {  	[dreg:$0x0] =	wrdreg $0xFFFFFFFF;
	(pc) =	sbr.abs _section_cstart, $3  }
0xc1: {  	[dreg:$0x1] =	wrdreg $0xFFFFFFFF  }
0xc2: {  	_ =	task.clear_ibuf [dreg:s7], $0x2FFFF;
	_ =	strace $0x9FFFFFFF  }
0xc3: {  	(tm) =	ssettm $0x7FFFFFFF  }
tec
execute0_lowered:
.L_overlay_start_1:
0x0: {  	(tag) =	ssettag $0x1  }
0x1: {  	s6 =	rddreg [dreg:$0x0]  }
0x2: {  	s7 =	rddreg [dreg:$0x1]  }
0x3: {  	s1 =	rddreg [dreg:$0x2]  }
0x4: {  	s0 =	rddreg [dreg:$0x3];
	s2 =	simm.s32 $0x0  }
0x5: {  	s3 =	srdreg.scid;
	s15 =	simm.s32 $0x80;
	s16 =	simm.s32 $0x16400  }
0x6: {  	s17 =	simm.s32 $0x1E480;
	s18 =	simm.s32 $0x1A400;
	s19 =	simm.s32 $0x3  }
0x7: {  	s20 =	simm.s32 $0x1;
	s21 =	simm.s32 $0x4;
	s8 =	sand.u32 $0x1, s3  }
0x8: {  	s22 =	simm.s32 $0x2;
	s3 =	stileid.u32;
	s9 =	smul.u32 $0x27800, s8  }
0x9: {  	[smem:$0x7FF] =	sst s2;
	s4 =	sadd.s32 $0x5AC00, s6;
	s14 =	smul.u32 $0x4F000, s3  }
0xa: {  	s10 =	sadd.s32 $0x1C00, s6;
	_ =	strace $0x8000004A;
	s29 =	smul.u32 $0x5000, s8  }
0xb: {  	s5 =	sshll.u32 s8, $0x4;
	s11 =	ssub.s32 $0x2, s8;
	s30 =	smul.u32 $0x500, s3  }
0xc: {  	s24 =	smul.u32 $0x2780, s3;
	s31 =	sshll.u32 s3, $0x6;
	s5 =	sor.u32 s3, s5  }
0xd: {  	s13 =	sshrl.u32 s11, $0x1;
	s12 =	smul.u32 $0x500, s5;
	s5 =	sadd.s32 $0x82400, s6  }
0xe: {  	s9 =	sadd.s32 s9, s6;
	s11 =	ssub.s32 s11, s13;
	s28 =	sshrl.u32 s14, $0x2  }
0xf: {  	s14 =	simm.s32 $0x1E400;
	s13 =	sadd.s32 s28, s1;
	s23 =	sadd.s32 $0x84C00, s9  }
0x10: {  	s9 =	smax.u32 s11, $0x1;
	s11 =	simm.s32 $0x5;
	s6 =	sadd.s32 s7, s12  }
0x11: {  	s7 =	sadd.s32 s10, s12;
	s10 =	sadd.s32 s29, s10;
	s12 =	sor.u32 $0x1C05, s31  }
0x12: {  	s13 =	sshrl.u32 s13, $0x3;
	s23 =	sadd.s32 s24, s23;
	s10 =	sadd.s32 s30, s10  }
0x13: {  	s24 =	simm.s32 $0x0;
	s8 =	sadd.s32 $0x10, s7;
	s10 =	sadd.s32 $0x30, s10  }
.LBB2_1:
0x14: {  	[tilespmem:s2], [sflag:$0x5] =	stream.linear.gather [hbm4b:s6+s2], $0x2800, $0x38;
	[tilespmem:$0x1E500] =	vst v63  }
0x15: {  	_ =	swait.ge [sflag:s11], $0x2800  }
0x16: {  	[sflag:s11] =	ssyncset.done $0x0  }
0x17: {  	[sflag:s11] =	ssyncadd.s32 $0xFFFFD800  }
0x18: {  	[spmem:s13], [sflag:s12] =	dma.local [hbm:s5], $0x2780  }
0x19: {  	_ =	swait.ge [sflag:s11], $0x2780  }
0x1a: {  	[sflag:s11] =	ssyncset.done $0x0  }
0x1b: {  	[sflag:s11] =	ssyncadd.s32 $0xFFFFD880  }
0x1c: {  	[tilespmem:s14], [sflag:$0x3] =	stream.linear.gather [hbm4b:s7+s2], $0x80, $0x38;
	[tilespmem:$0x1E500] =	vst v63  }
0x1d: {  	_ = 	snop  }
0x1e: {  	[tilespmem:s16], [sflag:$0x1] =	stream.indirect.gather [hbm4b:s4+s15], $0x80, s2, s15, $0xb8;
	[tilespmem:$0x1E500] =	vst v63  }
0x1f: {  	_ = 	snop  }
0x20: {  	[tilespmem:s17], [sflag:$0x4] =	stream.linear.gather [hbm4b:s8+s2], $0x80, $0x38;
	[tilespmem:$0x1E500] =	vst v63  }
0x21: {  	_ = 	snop  }
0x22: {  	[tilespmem:s18], [sflag:$0x2] =	stream.indirect.gather [hbm4b:s4+s15], $0x80, s15, s15, $0xb8;
	[tilespmem:$0x1E500] =	vst v63  }
0x23: {  	[bflag:$0x0] =	sbarrier.arrive $0xFFFF  }
0x24: {  	_ =	swait.ge [sflag:s19], $0x80  }
0x25: {  	[sflag:s19] =	ssyncset.done $0x0  }
0x26: {  	[sflag:s19] =	ssyncadd.s32 $0xFFFFFF80  }
0x27: {  	_ =	swait.ge [sflag:s20], $0x4000  }
0x28: {  	[sflag:s20] =	ssyncset.done $0x0  }
0x29: {  	[sflag:s20] =	ssyncadd.s32 $0xFFFFC000  }
0x2a: {  	[spmem:s1] =	stream.indirect.scatter.add.f32 [tilespmem:s16], [sflag:$0x5], $0x80, s14, s15, $0xb8;
	[tilespmem:$0x1E500] =	vst v63  }
0x2b: {  	_ =	swait.ge [sflag:s11], $0x4000  }
0x2c: {  	[sflag:s11] =	ssyncset.done $0x0  }
0x2d: {  	s25 =	sadd.s32 $0xFFFFFFF0, s10;
	[sflag:s11] =	ssyncadd.s32 $0xFFFFC000  }
0x2e: {  	[tilespmem:s14], [sflag:$0x3] =	stream.linear.gather [hbm4b:s25+s2], $0x80, $0x38;
	[tilespmem:$0x1E500] =	vst v63  }
0x2f: {  	s31 =	simm.s32 $0x100  }
0x30: {  	[tilespmem:s16], [sflag:$0x1] =	stream.indirect.gather [hbm4b:s4+s15], $0x80, s31, s15, $0xb8;
	[tilespmem:$0x1E500] =	vst v63  }
0x31: {  	_ =	swait.ge [sflag:s21], $0x80  }
0x32: {  	[sflag:s21] =	ssyncset.done $0x0  }
0x33: {  	[sflag:s21] =	ssyncadd.s32 $0xFFFFFF80  }
0x34: {  	_ =	swait.ge [sflag:s22], $0x4000  }
0x35: {  	[sflag:s22] =	ssyncset.done $0x0  }
0x36: {  	[sflag:s22] =	ssyncadd.s32 $0xFFFFC000  }
0x37: {  	[spmem:s1] =	stream.indirect.scatter.add.f32 [tilespmem:s18], [sflag:$0x5], $0x80, s17, s15, $0xb8;
	[tilespmem:$0x1E500] =	vst v63  }
0x38: {  	_ =	swait.ge [sflag:s11], $0x4000  }
0x39: {  	s28 =	simm.s32 $0x180;
	[sflag:s11] =	ssyncset.done $0x0  }
0x3a: {  	s26 =	sadd.s32 $0x20, s10;
	s25 =	simm.s32 $0x400;
	[sflag:s11] =	ssyncadd.s32 $0xFFFFC000  }
0x3b: {  	[tilespmem:s17], [sflag:$0x4] =	stream.linear.gather [hbm4b:s10+s2], $0x80, $0x38;
	[tilespmem:$0x1E500] =	vst v63  }
.LBB2_2:
0x3c: {  	[tilespmem:s18], [sflag:$0x2] =	stream.indirect.gather [hbm4b:s4+s15], $0x80, s28, s15, $0xb8;
	[tilespmem:$0x1E500] =	vst v63  }
0x3d: {  	s28 =	smov.u32 s25  }
0x3e: {  	p0 =	sne.s32 s25, $0x9800;
	s25 =	sadd.s32 $0x400, s25;
	_ =	swait.ge [sflag:s19], $0x80  }
0x3f: {  	[sflag:s19] =	ssyncset.done $0x0  }
0x40: {  	[sflag:s19] =	ssyncadd.s32 $0xFFFFFF80  }
0x41: {  	_ =	swait.ge [sflag:s20], $0x4000  }
0x42: {  	[sflag:s20] =	ssyncset.done $0x0  }
0x43: {  	[sflag:s20] =	ssyncadd.s32 $0xFFFFC000  }
0x44: {  	[spmem:s1] =	stream.indirect.scatter.add.f32 [tilespmem:s16], [sflag:$0x5], $0x80, s14, s15, $0xb8;
	[tilespmem:$0x1E500] =	vst v63  }
0x45: {  	_ =	swait.ge [sflag:s11], $0x4000  }
0x46: {  	[sflag:s11] =	ssyncset.done $0x0  }
0x47: {  	s29 =	sadd.s32 $0xFFFFFFF0, s26;
	s28 =	sshra.s32 s28, $0x2;
	[sflag:s11] =	ssyncadd.s32 $0xFFFFC000  }
0x48: {  	[tilespmem:s14], [sflag:$0x3] =	stream.linear.gather [hbm4b:s29+s2], $0x80, $0x38;
	[tilespmem:$0x1E500] =	vst v63  }
0x49: {  	s29 =	sadd.s32 $0x100, s28  }
0x4a: {  	[tilespmem:s16], [sflag:$0x1] =	stream.indirect.gather [hbm4b:s4+s15], $0x80, s29, s15, $0xb8;
	[tilespmem:$0x1E500] =	vst v63  }
0x4b: {  	_ =	swait.ge [sflag:s21], $0x80  }
0x4c: {  	[sflag:s21] =	ssyncset.done $0x0  }
0x4d: {  	[sflag:s21] =	ssyncadd.s32 $0xFFFFFF80  }
0x4e: {  	_ =	swait.ge [sflag:s22], $0x4000  }
0x4f: {  	[sflag:s22] =	ssyncset.done $0x0  }
0x50: {  	[sflag:s22] =	ssyncadd.s32 $0xFFFFC000  }
0x51: {  	[spmem:s1] =	stream.indirect.scatter.add.f32 [tilespmem:s18], [sflag:$0x5], $0x80, s17, s15, $0xb8;
	[tilespmem:$0x1E500] =	vst v63  }
.Ltmp0:
0x52: {  	_ =	swait.ge [sflag:s11], $0x4000;
	(pc) =	sbr.rel @p0 .LBB2_2-.Ltmp0, $4  }
0x53: {  	[sflag:s11] =	ssyncset.done $0x0  }
0x54: {  	[sflag:s11] =	ssyncadd.s32 $0xFFFFC000  }
0x55: {  	[tilespmem:s17], [sflag:$0x4] =	stream.linear.gather [hbm4b:s26+s2], $0x80, $0x38;
	[tilespmem:$0x1E500] =	vst v63  }
0x56: {  	s28 =	sadd.s32 $0x180, s28;
	s26 =	sadd.s32 $0x20, s26  }
0x57: {  	[tilespmem:s18], [sflag:$0x2] =	stream.indirect.gather [hbm4b:s4+s15], $0x80, s28, s15, $0xb8;
	[tilespmem:$0x1E500] =	vst v63  }
0x58: {  	_ =	swait.ge [sflag:s19], $0x80  }
0x59: {  	[sflag:s19] =	ssyncset.done $0x0  }
0x5a: {  	[sflag:s19] =	ssyncadd.s32 $0xFFFFFF80  }
0x5b: {  	_ =	swait.ge [sflag:s20], $0x4000  }
0x5c: {  	[sflag:s20] =	ssyncset.done $0x0  }
0x5d: {  	[sflag:s20] =	ssyncadd.s32 $0xFFFFC000  }
0x5e: {  	[spmem:s1] =	stream.indirect.scatter.add.f32 [tilespmem:s16], [sflag:$0x5], $0x80, s14, s15, $0xb8;
	[tilespmem:$0x1E500] =	vst v63  }
0x5f: {  	_ =	swait.ge [sflag:s11], $0x4000  }
0x60: {  	[sflag:s11] =	ssyncset.done $0x0  }
0x61: {  	[sflag:s11] =	ssyncadd.s32 $0xFFFFC000  }
0x62: {  	_ =	swait.ge [sflag:s21], $0x80  }
0x63: {  	[sflag:s21] =	ssyncset.done $0x0  }
0x64: {  	[sflag:s21] =	ssyncadd.s32 $0xFFFFFF80  }
0x65: {  	_ =	swait.ge [sflag:s22], $0x4000  }
0x66: {  	[sflag:s22] =	ssyncset.done $0x0  }
0x67: {  	[sflag:s22] =	ssyncadd.s32 $0xFFFFC000  }
0x68: {  	[spmem:s1] =	stream.indirect.scatter.add.f32 [tilespmem:s18], [sflag:$0x5], $0x80, s17, s15, $0xb8;
	[tilespmem:$0x1E500] =	vst v63  }
0x69: {  	_ =	swait.ge [sflag:s11], $0x4000  }
0x6a: {  	s24 =	sadd.s32 $0x1, s24;
	[sflag:s11] =	ssyncset.done $0x0  }
0x6b: {  	p0 =	sne.s32 s24, s9;
	[sflag:s11] =	ssyncadd.s32 $0xFFFFC000  }
.Ltmp1:
0x6c: {  	[bflag:$0x0] =	sbarrier.arrive $0xFFFF;
	(pc) =	sbr.rel @p0 .LBB2_1-.Ltmp1, $4  }
0x6d: {  	[hbm:s23], [sflag:s12] =	dma.local [spmem:s13], $0x2780  }
0x6e: {  	_ =	swait.ge [sflag:s11], $0x2780  }
0x6f: {  	[sflag:s11] =	ssyncset.done $0x0  }
0x70: {  	[sflag:s11] =	ssyncadd.s32 $0xFFFFD880  }
0x71: {  	_ =	sfence.sel $0x180000  }
0x72: {  	[bflag:$0x0] =	sbarrier.arrive $0xFFFF  }
0x73: {  	p0 =	sne.s32 s3, $0x0;
	_ =	strace $0x9000004A  }
0x74: {  	s0 =	sadd.s32 @!p0 $0x100000, s0;
	[bflag:$0x2] =	sbarrier.arrive $0xFFFF  }
0x75: {  	[sflag:s0] =	ssyncadd.tile.s32 @!p0 $0x1;
	_ =	shalt  }
.Lfunc_end2:
_tile_overlayer_lowered:
.L_overlay_start_2:
0x76: {  	(tag) =	ssettag $0x2  }
0x77: {  	s0 =	rddreg [dreg:$0x0];
	s2 =	stileid.u32  }
0x78: {  	s1 =	rddreg [dreg:$0x1];
	p0 =	sne.s32 s2, $0x0  }
0x79: {  	s3 =	rddreg [dreg:$0x2];
	[bflag:$0x3] =	sbarrier.arrive $0xFFFF;
	s2 =	simm.s32 @!p0 $0x1C05  }
0x7a: {  	[timem:s3], [sflag:s2] =	dma.local @!p0 [hbm:s0], s1  }
0x7b: {  	s0 =	simm.s32 @!p0 $0x5  }
0x7c: {  	_ =	swait.ge @!p0 [sflag:s0], s1  }
0x7d: {  	s1 =	ssub.s32 @!p0 $0x0, s1;
	[sflag:s0] =	ssyncset.done @!p0 $0x0  }
0x7e: {  	[sflag:s0] =	ssyncadd.s32 @!p0 s1  }
0x7f: {  	[bflag:$0x3] =	sbarrier.arrive $0xFFFF  }
0x80: {  	_ =	shalt  }

// kernel: kernel.7.cloned.1.call-start
scs
__scs_entry_jumppad:
0x0: {  	(pc) =	sbr.rel $0x88, $3  }
0x1: {  	(tag) =	ssettag $0x0;
	lr =	simm.s32 $0x1  }
0x2: {  	[smem:$0x3F9D] =	sst lr;
	_ =	strace $0xD0000000  }
0x3: {  	_ = 	snop  }
0x4: {  	_ = 	snop  }
0x5: {  	_ = 	snop  }
0x6: {  	_ = 	snop  }
0x7: {  	_ = 	snop  }
__scs_overlays_trampoline_lowered:
0x8: {  	[smem:$0x3FAC] =	sst s0  }
0x9: {  	[smem:$0x3FAD] =	sst s1  }
0xa: {  	[smem:$0x3FAE] =	sst s2  }
0xb: {  	[smem:$0x3FAF] =	sst s3  }
0xc: {  	[smem:$0x3FB0] =	sst s4  }
0xd: {  	[smem:$0x3FB1] =	sst s5  }
0xe: {  	[smem:$0x3FB2] =	sst s6  }
0xf: {  	[smem:$0x3FB3] =	sst s7  }
0x10: {  	[smem:$0x3FB4] =	sst s8  }
0x11: {  	[smem:$0x3FB5] =	sst s9;
	s0 =	simm.s32 @!p0 $0x0  }
0x12: {  	s1 =	sld [smem:$0x3F9B];
	s0 =	simm.s32 @p0 $0x1  }
0x13: {  	[smem:$0x3FB6] =	sst s0;
	s0 =	simm.s32 @!p1 $0x0  }
0x14: {  	s2 =	sld [smem:$0x3F9A];
	s0 =	simm.s32 @p1 $0x1  }
0x15: {  	[smem:$0x3FB7] =	sst s0;
	s0 =	simm.s32 @!p2 $0x0  }
0x16: {  	s3 =	sld [smem:$0x3FDB];
	s0 =	simm.s32 @p2 $0x1  }
0x17: {  	s4 =	simm.s32 $0x1BF5;
	[smem:$0x3FB9] =	sst s0  }
0x18: {  	s0 =	sld [smem:$0x3F9C];
	_ =	swait.ge [sflag:s4], $0x0  }
0x19: {  	s7 =	sld [smem:$0x3F9D]  }
0x1a: {  	s8 =	sadd.s32 $0xFFFFE003, lr  }
0x1b: {  	s9 =	sadd.s32 $0xFFFFFEF7, lr;
	s5 =	simm.s32 $0xFFFFFFFF;
	p2 =	slt.u32 s8, $0xFFFFF086  }
0x1c: {  	p1 =	slt.u32 s9, $0xF7A;
	s5 =	simm.s32 @!p2 $0x0  }
0x1d: {  	s5 =	simm.s32 @p1 $0x1;
	p0 =	seq.s32 s7, s2  }
0x1e: {  	s7 =	smul.u32 @!p0 $0xF7A, s2;
	p2 =	seq.s32 @!p0 s5, $0x0  }
0x1f: {  	s9 =	smul.u32 $0xF7A, s1;
	s8 =	simm.s32 @!p0 $0x1BF5;
	p2 =	por !p2, p0  }
0x20: {  	[sflag:s8] =	ssyncset.s32 @!p0 $0xFFFFF086;
	s6 =	sadd.s32 @!p0 s3, s7;
	s7 =	simm.s32 @!p0 $0x108  }
0x21: {  	s3 =	sadd.s32 s3, s9;
	s6 =	sadd.s32 @!p0 $0x88, s6;
	s7 =	simm.s32 @p2 $0x1082  }
0x22: {  	[simem:s7], [sflag:s8] =	dma.local @!p0 [hbm:s6], $0xF7A  }
0x23: {  	s9 =	sor.u32 $0xD0000000, s2;
	s6 =	simm.s32 $0x108;
	_ =	swait.ge @!p0 [sflag:s8], $0x0  }
0x24: {  	s3 =	sadd.s32 $0x88, s3;
	s6 =	simm.s32 @!p1 $0x1082;
	[sflag:s4] =	ssyncset.s32 $0xFFFFF086  }
0x25: {  	[simem:s6], [sflag:s4] =	dma.local [hbm:s3], $0xF7A  }
0x26: {  	[smem:$0x3F9D] =	sst s1;
	(tag) =	ssettag s2;
	_ =	strace s9  }
0x27: {  	s1 =	sld [smem:$0x3FAD]  }
0x28: {  	s2 =	sld [smem:$0x3FAE]  }
0x29: {  	s4 =	sld [smem:$0x3FB0]  }
0x2a: {  	p0 =	seq.s32 s5, $0x0;
	s5 =	sld [smem:$0x3FB1]  }
0x2b: {  	s6 =	sld [smem:$0x3FB2]  }
0x2c: {  	s7 =	sld [smem:$0x3FB3]  }
0x2d: {  	s3 =	simm.s32 $0x108;
	s8 =	sld [smem:$0x3FB4]  }
0x2e: {  	s3 =	simm.s32 @!p0 $0x1082;
	s9 =	sld [smem:$0x3FB5]  }
0x2f: {  	lr =	sadd.s32 s0, s3;
	s0 =	sld [smem:$0x3FAC]  }
0x30: {  	s3 =	sld [smem:$0x3FAF]  }
0x31: {  	[smem:$0x3FB8] =	sst s10  }
0x32: {  	s10 =	sld [smem:$0x3FB6];
	_ =	sdelay $0x3  }
0x33: {  	p0 =	seq.s32 s10, $0x1;
	s10 =	sld [smem:$0x3FB8];
	_ =	sdelay $0x3  }
0x34: {  	[smem:$0x3FB8] =	sst s10  }
0x35: {  	s10 =	sld [smem:$0x3FB7];
	_ =	sdelay $0x3  }
0x36: {  	p1 =	seq.s32 s10, $0x1;
	s10 =	sld [smem:$0x3FB8];
	_ =	sdelay $0x3  }
0x37: {  	[smem:$0x3FB8] =	sst s10  }
0x38: {  	s10 =	sld [smem:$0x3FB9]  }
0x39: {  	_ = 	snop;
	(pc) =	sbr.ind lr, $3  }
0x3a: {  	_ = 	snop  }
0x3b: {  	_ = 	snop  }
0x3c: {  	p2 =	seq.s32 s10, $0x1;
	s10 =	sld [smem:$0x3FB8]  }
0x3d: {  	_ =	shalt  }
0x3e: {  	_ =	shalt  }
0x3f: {  	_ =	shalt  }
0x40: {  	_ =	shalt  }
0x41: {  	_ =	shalt  }
0x42: {  	_ =	shalt  }
0x43: {  	_ =	shalt  }
0x44: {  	_ =	shalt  }
0x45: {  	_ =	shalt  }
0x46: {  	_ =	shalt  }
0x47: {  	_ =	shalt  }
0x48: {  	_ =	shalt  }
0x49: {  	_ =	shalt  }
0x4a: {  	_ =	shalt  }
0x4b: {  	_ =	shalt  }
0x4c: {  	_ =	shalt  }
0x4d: {  	_ =	shalt  }
0x4e: {  	_ =	shalt  }
0x4f: {  	_ =	shalt  }
0x50: {  	_ =	shalt  }
0x51: {  	_ =	shalt  }
0x52: {  	_ =	shalt  }
0x53: {  	_ =	shalt  }
0x54: {  	_ =	shalt  }
0x55: {  	_ =	shalt  }
0x56: {  	_ =	shalt  }
0x57: {  	_ =	shalt  }
0x58: {  	_ =	shalt  }
0x59: {  	_ =	shalt  }
0x5a: {  	_ =	shalt  }
0x5b: {  	_ =	shalt  }
0x5c: {  	_ =	shalt  }
0x5d: {  	_ =	shalt  }
0x5e: {  	_ =	shalt  }
0x5f: {  	_ =	shalt  }
0x60: {  	_ =	shalt  }
0x61: {  	_ =	shalt  }
0x62: {  	_ =	shalt  }
0x63: {  	_ =	shalt  }
0x64: {  	_ =	shalt  }
0x65: {  	_ =	shalt  }
0x66: {  	_ =	shalt  }
0x67: {  	_ =	shalt  }
0x68: {  	_ =	shalt  }
0x69: {  	_ =	shalt  }
0x6a: {  	_ =	shalt  }
0x6b: {  	_ =	shalt  }
0x6c: {  	_ =	shalt  }
0x6d: {  	_ =	shalt  }
0x6e: {  	_ =	shalt  }
0x6f: {  	_ =	shalt  }
0x70: {  	_ =	shalt  }
0x71: {  	_ =	shalt  }
0x72: {  	_ =	shalt  }
0x73: {  	_ =	shalt  }
0x74: {  	_ =	shalt  }
0x75: {  	_ =	shalt  }
0x76: {  	_ =	shalt  }
0x77: {  	_ =	shalt  }
0x78: {  	_ =	shalt  }
0x79: {  	_ =	shalt  }
0x7a: {  	_ =	shalt  }
0x7b: {  	_ =	shalt  }
0x7c: {  	_ =	shalt  }
0x7d: {  	_ =	shalt  }
0x7e: {  	_ =	shalt  }
0x7f: {  	_ =	shalt  }
0x80: {  	_ =	shalt  }
0x81: {  	_ =	shalt  }
0x82: {  	_ =	shalt  }
0x83: {  	_ =	shalt  }
0x84: {  	_ =	shalt  }
0x85: {  	_ =	shalt  }
0x86: {  	_ =	shalt  }
0x87: {  	_ =	shalt  }
.Lfunc_end0:
.L_simem_size_0:
called_computation_lowered:
.L_overlay_start_0:
0x88: {  	s2 =	sld [smem:$0x3FD9]  }
0x89: {  	s3 =	sld [smem:$0x3FFE];
	_ =	sdelay $0x1  }
0x8a: {  	s1 =	srdreg.scid  }
0x8b: {  	s0 =	sand.u32 $0x1, s1  }
0x8c: {  	s16 =	sshll.u32 s0, $0xA;
	s2 =	sadd.s32 s3, s2  }
0x8d: {  	s2 =	sadd.s32 s2, s16  }
0x8e: {  	[smem:$0x3FC4] =	sst s2  }
0x8f: {  	_ = 	snop  }
0x90: {  	(tm) =	ssettm $0x1  }
0x91: {  	s17 =	sld [smem:$0x3FFB];
	_ =	sdelay $0x3  }
0x92: {  	_ =	strace s17  }
0x93: {  	s2 =	sld [smem:$0x3FFC];
	_ =	sdelay $0x3  }
0x94: {  	_ =	strace s2  }
0x95: {  	s2 =	sld [smem:$0x3FFD];
	_ =	sdelay $0x3  }
0x96: {  	_ =	strace s2  }
0x97: {  	_ =	strace $0x8FFFFFFF  }
0x98: {  	s18 =	sld [smem:$0x3FDB];
	_ =	sdelay $0x1  }
0x99: {  	s19 =	simm.s32 $_scs_section_size  }
0x9a: {  	s4 =	simm.s32 $_size__tile_overlayer_lowered;
	s5 =	simm.s32 $_tile_overlayer_lowered  }
0x9b: {  	s22 =	simm.s32 $0x1BFF;
	s21 =	sshll.u32 s5, $0x1;
	s2 =	sadd.s32 s19, s18  }
0x9c: {  	s6 =	simm.s32 $0x0;
	s20 =	sshll.u32 s4, $0x1;
	s4 =	sadd.s32 s21, s2  }
0x9d: {  	[timem:s6], [sflag:s22] =	dma.local [hbm:s4], s20  }
0x9e: {  	_ =	swait.ge [sflag:s22], s20  }
0x9f: {  	s3 =	ssub.s32 $0x0, s20;
	[sflag:s22] =	ssyncset.done $0x0  }
0xa0: {  	[sflag:s22] =	ssyncadd.s32 s3;
	_ =	sdelay $0x1  }
0xa1: {  	s23 =	simm.s32 $0x1B8B  }
0xa2: {  	_ =	swait.ge [sflag:s23], $0x1  }
0xa3: {  	[sflag:s23] =	ssyncset.done $0x0  }
0xa4: {  	s25 =	simm.s32 $0x1B8E;
	s24 =	sld [smem:$0x3FFE];
	[sflag:s23] =	ssyncadd.s32 $0xFFFFFFFF  }
0xa5: {  	s26 =	simm.s32 $execute0_lowered;
	[smem:$0x3FD2] =	sst s25  }
0xa6: {  	s4 =	sshll.u32 s26, $0x1;
	_ =	strace $0x80000046;
	[dreg:$0x1] =	wrdreg $0xFFFFFFFF  }
0xa7: {  	s28 =	simm.s32 $_size_execute0_lowered;
	s2 =	sadd.s32 s2, s4;
	[dreg:$0x0] =	wrdreg $0x0  }
0xa8: {  	s4 =	sshll.u32 s28, $0x1;
	[dreg:$0x2] =	wrdreg s2  }
0xa9: {  	[dreg:$0x3] =	wrdreg s4  }
0xaa: {  	[dreg:$0x4] =	wrdreg $0xC0  }
0xab: {  	_ =	task [dreg:s6], $0x5FFFF  }
0xac: {  	[dreg:$0x1] =	wrdreg $0xFFFFFFFF  }
0xad: {  	[dreg:$0x0] =	wrdreg $0x60  }
0xae: {  	[dreg:$0x2] =	wrdreg s24  }
0xaf: {  	[dreg:$0x3] =	wrdreg $0x50800  }
0xb0: {  	[dreg:$0x4] =	wrdreg $0x9  }
0xb1: {  	_ =	task.clear_ibuf [dreg:s6], $0x5FFFF;
	_ =	strace $0x90000046  }
0xb2: {  	s29 =	simm.s32 $0x9;
	_ =	strace $0x80000048  }
0xb3: {  	_ =	swait.ge [sflag:s29], $0x1  }
0xb4: {  	[sflag:s29] =	ssyncadd.s32 $0xFFFFFFFF  }
0xb5: {  	_ =	strace $0x90000048  }
0xb6: {  	_ =	sfence  }
0xb7: {  	s30 =	sld [smem:$0x0];
	_ =	sdelay $0x2  }
0xb8: {  	s31 =	sshll.u32 s1, $0xD;
	s1 =	sshrl.u32 s1, $0x2  }
0xb9: {  	s3 =	sand.u32 $0x4000, s31;
	s1 =	sadd.s32 s1, s30  }
0xba: {  	s0 =	sor.u32 s3, s0;
	s1 =	sshll.u32 s1, $0x11  }
0xbb: {  	s0 =	sor.u32 s1, s0  }
0xbc: {  	s0 =	sadd.s32 $0x8F2B, s0  }
0xbd: {  	[sflag:s0] =	ssyncadd.remote.s32 $0x1  }
0xbe: {  	_ =	sfence.sel $0xFFFF  }
0xbf: {  	[dreg:$0x0] =	wrdreg $0xFFFFFFFF;
	(pc) =	sbr.abs _section_cstart, $3  }
0xc0: {  	[dreg:$0x1] =	wrdreg $0xFFFFFFFF  }
0xc1: {  	_ =	task.clear_ibuf [dreg:s6], $0x2FFFF;
	_ =	strace $0x9FFFFFFF  }
0xc2: {  	(tm) =	ssettm $0x7FFFFFFF  }
0xc3: {  	_ =	shalt  }
tec
execute0_lowered:
.L_overlay_start_1:
0x0: {  	(tag) =	ssettag $0x1  }
0x1: {  	s5 =	rddreg [dreg:$0x0]  }
0x2: {  	s0 =	srdreg.scid;
	s1 =	rddreg [dreg:$0x1]  }
0x3: {  	s8 =	stileid.u32;
	s2 =	simm.s32 $0x0;
	s12 =	simm.s32 $0x4F  }
0x4: {  	s13 =	simm.s32 $0x0;
	s3 =	sand.u32 $0x1, s0;
	s0 =	rddreg [dreg:$0x2]  }
0x5: {  	[smem:$0x7FF] =	sst s2;
	p0 =	sne.s32 s8, $0x0;
	s4 =	sshll.u32 s3, $0x4  }
0x6: {  	_ =	strace $0x80000047;
	s7 =	smul.u32 $0x500, s3;
	s4 =	sor.u32 s8, s4  }
0x7: {  	s9 =	ssub.s32 $0x2, s3;
	s3 =	sadd.s32 $0xBE00, s5;
	s4 =	smul.u32 $0x500, s4  }
0x8: {  	s11 =	sshrl.u32 @!p0 s1, $0x3;
	s10 =	sshrl.u32 s9, $0x1;
	s8 =	simm.s32 $0x1  }
0x9: {  	s7 =	sadd.s32 s7, s5;
	s9 =	ssub.s32 s9, s10;
	s6 =	sadd.s32 s4, s5  }
0xa: {  	s10 =	simm.s32 $0x5000;
	s4 =	sadd.s32 $0xBC00, s5;
	s5 =	sadd.s32 $0x1C00, s6  }
0xb: {  	v0 =	vimm.f32 $1.000000000e+00;
	s6 =	sadd.s32 $0xC400, s7;
	s7 =	smax.u32 s9, $0x1;
	s9 =	simm.s32 $0x2800  }
.LBB2_1:
0xc: {  	[tilespmem:s2], [sflag:$0x1] =	stream.linear.gather [hbm4b:s5+s2], $0x2800, $0x38;
	[tilespmem:$0x52F8] =	vst v63  }
0xd: {  	_ =	swait.ge [sflag:s8], $0x2800  }
0xe: {  	[sflag:s8] =	ssyncset.done $0x0  }
0xf: {  	[sflag:s8] =	ssyncadd.s32 $0xFFFFD800  }
0x10: {  	[tilespmem:s9], [sflag:$0x1] =	stream.linear.gather [hbm4b:s3+s2], $0x2780, $0x38;
	[tilespmem:$0x52F8] =	vst v63  }
0x11: {  	_ =	swait.ge [sflag:s8], $0x2780  }
0x12: {  	[sflag:s8] =	ssyncset.done $0x0  }
0x13: {  	[sflag:s8] =	ssyncadd.s32 $0xFFFFD880  }
0x14: {  	[tilespmem:s10], [sflag:$0x1] =	stream.linear.gather [hbm4b:s4+s2], $0x80, $0x38;
	[tilespmem:$0x52F8] =	vst v63  }
0x15: {  	_ =	swait.ge [sflag:s8], $0x80  }
0x16: {  	[sflag:s8] =	ssyncset.done $0x0  }
0x17: {  	s14 =	simm.s32 @!p0 $0x1C01;
	[sflag:s8] =	ssyncadd.s32 $0xFFFFFF80  }
0x18: {  	[spmem:s11], [sflag:s14] =	dma.local @!p0 [hbm:s3], $0x4F0  }
0x19: {  	s14 =	simm.s32 @!p0 $0x1  }
0x1a: {  	_ =	swait.ge @!p0 [sflag:s14], $0x4F0  }
0x1b: {  	[sflag:s14] =	ssyncset.done @!p0 $0x0  }
0x1c: {  	s15 =	simm.s32 $0x0;
	[sflag:s14] =	ssyncadd.s32 @!p0 $0xFFFFFB10;
	s14 =	simm.s32 $0x40  }
.LBB2_2:
0x1d: {  	p1 =	sne.s32 s14, $0x9FC0;
	v1 =	vld [tilespmem:s15+$0x0];
	_ =	sdelay $0x3  }
.Ltmp0:
0x1e: {  	(pc) =	sbr.rel @p1 .LBB2_2-.Ltmp0, $2  }
0x1f: {  	_ =	sdelay $0x2  }
0x20: {  	s15 =	sshra.s32 s14, $0x2;
	s14 =	sadd.s32 $0x40, s14;
	[tilespmem:v1+s9+$0x0] =	vst.idx.add.f32.msk $0xffff, v0  }
0x21: {  	v1 =	vld [tilespmem:s15+$0x0];
	_ =	sdelay $0x7  }
0x22: {  	[tilespmem:v1+s9+$0x0] =	vst.idx.add.f32.msk $0xffff, v0  }
0x23: {  	[bflag:$0x0] =	sbarrier.arrive $0xFFFF  }
0x24: {  	[spmem:s1] =	stream.indirect.scatter.add.f32 [tilespmem:s9], [sflag:$0x1], $0x80, s10, s12, $0xb8;
	[tilespmem:$0x52F8] =	vst v63  }
0x25: {  	_ =	swait.ge [sflag:s8], $0x2780  }
0x26: {  	[sflag:s8] =	ssyncset.done $0x0  }
0x27: {  	s13 =	sadd.s32 $0x1, s13;
	[sflag:s8] =	ssyncadd.s32 $0xFFFFD880  }
0x28: {  	s14 =	simm.s32 @!p0 $0x1C01;
	p1 =	sne.s32 s13, s7;
	[bflag:$0x0] =	sbarrier.arrive $0xFFFF  }
0x29: {  	[hbm:s6], [sflag:s14] =	dma.local @!p0 [spmem:s11], $0x4F0  }
.Ltmp1:
0x2a: {  	_ = 	snop;
	(pc) =	sbr.rel @p1 .LBB2_1-.Ltmp1, $4  }
0x2b: {  	s14 =	simm.s32 @!p0 $0x1  }
0x2c: {  	_ =	swait.ge @!p0 [sflag:s14], $0x4F0  }
0x2d: {  	[sflag:s14] =	ssyncset.done @!p0 $0x0  }
0x2e: {  	[sflag:s14] =	ssyncadd.s32 @!p0 $0xFFFFFB10  }
0x2f: {  	_ =	sfence.sel $0x180000  }
0x30: {  	[bflag:$0x0] =	sbarrier.arrive $0xFFFF  }
0x31: {  	_ =	strace $0x90000047  }
0x32: {  	s0 =	sadd.s32 @!p0 $0x100000, s0;
	[bflag:$0x2] =	sbarrier.arrive $0xFFFF  }
0x33: {  	[sflag:s0] =	ssyncadd.tile.s32 @!p0 $0x1;
	_ =	shalt  }
.Lfunc_end2:
_tile_overlayer_lowered:
.L_overlay_start_2:
0x34: {  	(tag) =	ssettag $0x2  }
0x35: {  	s0 =	rddreg [dreg:$0x0];
	s2 =	stileid.u32  }
0x36: {  	s1 =	rddreg [dreg:$0x1];
	p0 =	sne.s32 s2, $0x0  }
0x37: {  	s3 =	rddreg [dreg:$0x2];
	[bflag:$0x3] =	sbarrier.arrive $0xFFFF;
	s2 =	simm.s32 @!p0 $0x1C01  }
0x38: {  	[timem:s3], [sflag:s2] =	dma.local @!p0 [hbm:s0], s1  }
0x39: {  	s0 =	simm.s32 @!p0 $0x1  }
0x3a: {  	_ =	swait.ge @!p0 [sflag:s0], s1  }
0x3b: {  	s1 =	ssub.s32 @!p0 $0x0, s1;
	[sflag:s0] =	ssyncset.done @!p0 $0x0  }
0x3c: {  	[sflag:s0] =	ssyncadd.s32 @!p0 s1  }
0x3d: {  	[bflag:$0x3] =	sbarrier.arrive $0xFFFF  }
0x3e: {  	_ =	shalt  }

</sc_bundles>
